<compile_context>
chip_gen: v7x
topology: tpu7x:2x2x1
jax: 0.10.2.dev20260603
libtpu: 0.0.44.dev20260713+nightly
codegen_flags: <defaults>
</compile_context>

<pallas_src>
import functools

import jax
import jax.numpy as jnp
from jax import lax
from jax.experimental import pallas as pl
from jax.experimental.pallas import tpu as pltpu
from jax.experimental.pallas import tpu_sc as plsc

NUM_TREES = 16
NUM_NODES = 7
TOTAL_NODES = NUM_TREES * NUM_NODES
MAX_DEPTH = 8
N_FEATURES = 128
BATCH = 16384

_NC = 2
_NS = 16
_L = 16
_NW = _NC * _NS
_B_PER_W = BATCH // _NW
_CHUNK = 128
_NCHUNK = _B_PER_W // _CHUNK

_F_PAD = 2 * TOTAL_NODES
_I_PAD = 3 * TOTAL_NODES + NUM_TREES


def _traverse_body(x_hbm, tbf_hbm, tbi_hbm, out_hbm, x_v, tbf_v, tbi_v, out_v,
                   sem0, sem1):
    wid = lax.axis_index("s") * _NC + lax.axis_index("c")
    base = wid * _B_PER_W
    sems = (sem0, sem1)

    pltpu.async_copy(
        x_hbm.at[pl.ds(base * N_FEATURES, _CHUNK * N_FEATURES)], x_v.at[0], sems[0]
    )
    pltpu.sync_copy(tbf_hbm, tbf_v)
    pltpu.sync_copy(tbi_hbm, tbi_v)

    off = tbi_v[pl.ds(3 * TOTAL_NODES, _L)]

    ft0 = plsc.load_gather(tbi_v, [off + 2 * TOTAL_NODES])
    th0 = plsc.load_gather(tbf_v, [off])
    l0 = plsc.load_gather(tbi_v, [off]) + off
    r0 = plsc.load_gather(tbi_v, [off + TOTAL_NODES]) + off
    ftl = plsc.load_gather(tbi_v, [l0 + 2 * TOTAL_NODES])
    thl = plsc.load_gather(tbf_v, [l0])
    ftr = plsc.load_gather(tbi_v, [r0 + 2 * TOTAL_NODES])
    thr = plsc.load_gather(tbf_v, [r0])
    ll = plsc.load_gather(tbi_v, [l0]) + off
    lr = plsc.load_gather(tbi_v, [l0 + TOTAL_NODES]) + off
    rl = plsc.load_gather(tbi_v, [r0]) + off
    rr = plsc.load_gather(tbi_v, [r0 + TOTAL_NODES]) + off
    vll = plsc.load_gather(tbf_v, [ll + TOTAL_NODES])
    vlr = plsc.load_gather(tbf_v, [lr + TOTAL_NODES])
    vrl = plsc.load_gather(tbf_v, [rl + TOTAL_NODES])
    vrr = plsc.load_gather(tbf_v, [rr + TOTAL_NODES])

    for c in range(_NCHUNK):
        buf = c % 2
        pltpu.make_async_copy(
            x_hbm.at[pl.ds((base + c * _CHUNK) * N_FEATURES, _CHUNK * N_FEATURES)],
            x_v.at[buf],
            sems[buf],
        ).wait()
        if c + 1 < _NCHUNK:
            pltpu.async_copy(
                x_hbm.at[
                    pl.ds((base + (c + 1) * _CHUNK) * N_FEATURES, _CHUNK * N_FEATURES)
                ],
                x_v.at[1 - buf],
                sems[1 - buf],
            )
        x_c = x_v.at[buf]
        out_base = c * _CHUNK

        @plsc.parallel_loop(0, _CHUNK, 1, unroll=8)
        def body(b):
            bvec = jnp.full((_L,), b * N_FEATURES, dtype=jnp.int32)
            x0 = plsc.load_gather(x_c, [bvec + ft0])
            xl = plsc.load_gather(x_c, [bvec + ftl])
            xr = plsc.load_gather(x_c, [bvec + ftr])
            val_left = jnp.where(xl >= thl, vlr, vll)
            val_right = jnp.where(xr >= thr, vrr, vrl)
            val = jnp.where(x0 >= th0, val_right, val_left)
            out_v[pl.ds((out_base + b) * NUM_TREES, _L)] = val

    pltpu.sync_copy(out_v, out_hbm.at[pl.ds(base * NUM_TREES, _B_PER_W * NUM_TREES)])


@functools.partial(
    pl.kernel,
    out_type=jax.ShapeDtypeStruct((BATCH * NUM_TREES,), jnp.float32),
    mesh=plsc.VectorSubcoreMesh(core_axis_name="c", subcore_axis_name="s"),
    compiler_params=pltpu.CompilerParams(
        needs_layout_passes=False, use_tc_tiling_on_sc=False
    ),
    scratch_types=[
        pltpu.VMEM((2, _CHUNK * N_FEATURES), jnp.float32),
        pltpu.VMEM((_F_PAD,), jnp.float32),
        pltpu.VMEM((_I_PAD,), jnp.int32),
        pltpu.VMEM((_B_PER_W * NUM_TREES,), jnp.float32),
        pltpu.SemaphoreType.DMA,
        pltpu.SemaphoreType.DMA,
    ],
)
def _tree_traversal_sc(*refs):
    _traverse_body(*refs)


def kernel(x, thresholds, values, lefts, rights, features, nodes_offset):
    tbf = jnp.concatenate([thresholds, values.reshape(-1)])
    tbi = jnp.concatenate([lefts, rights, features, nodes_offset.reshape(-1)])
    out = _tree_traversal_sc(x.reshape(-1), tbf, tbi)
    return out.reshape(BATCH, NUM_TREES, 1)

# --- scband reference (transcript-rebuilt; emitter-appended) ---
"""Pipeline reference for scband-tree-traversal-tree-impl-50483045597801 (READ-ONLY COPY).

The authoritative reference and input builder live on the scoring server;
editing this copy changes nothing except your own understanding.
"""

import jax, jax.numpy as jnp
import numpy as np

NUM_TREES = 16
NUM_NODES = 7
MAX_DEPTH = 8
N_FEATURES = 128
N_CLASSES = 1
BATCH = 16384

def _build_tree_params():
    lefts = np.tile(np.array([1, 3, 5, 3, 4, 5, 6], dtype=np.int32), (NUM_TREES, 1))
    rights = np.tile(np.array([2, 4, 6, 3, 4, 5, 6], dtype=np.int32), (NUM_TREES, 1))
    features = np.zeros((NUM_TREES, NUM_NODES), dtype=np.int32)
    thresholds = np.zeros((NUM_TREES, NUM_NODES), dtype=np.float32)
    values = np.zeros((NUM_TREES, NUM_NODES, N_CLASSES), dtype=np.float32)
    for i in range(NUM_TREES):
        features[i, 0] = 3 * i
        features[i, 1] = 3 * i + 1
        features[i, 2] = 3 * i + 2
        thresholds[i, 1] = -0.5
        thresholds[i, 2] = 0.5
        values[i, 3, 0] = round(0.1 * i + 0.5, 1)
        values[i, 4, 0] = round(0.1 * i - 0.5, 1)
        values[i, 5, 0] = round(0.1 * i + 1.0, 1)
        values[i, 6, 0] = round(0.1 * i - 1.0, 1)
    nodes_offset = (np.arange(NUM_TREES, dtype=np.int32) * NUM_NODES)[None, :]
    return lefts, rights, features, thresholds, values, nodes_offset

def setup_inputs(seed: int = 0) -> dict:
    key = jax.random.key(seed)
    x = jax.random.normal(key, (BATCH, N_FEATURES), dtype=jnp.float32)
    lefts, rights, features, thresholds, values, nodes_offset = _build_tree_params()
    return {
        "x": x,
        "thresholds": jnp.asarray(thresholds.reshape(-1)),
        "values": jnp.asarray(values.reshape(-1, N_CLASSES)),
        "lefts": jnp.asarray(lefts.reshape(-1)),
        "rights": jnp.asarray(rights.reshape(-1)),
        "features": jnp.asarray(features.reshape(-1)),
        "nodes_offset": jnp.asarray(nodes_offset),
    }

def reference(x, thresholds, values, lefts, rights, features, nodes_offset):
    B = x.shape[0]
    indexes = jnp.broadcast_to(nodes_offset, (B, NUM_TREES)).reshape(-1)
    for _ in range(MAX_DEPTH):
        tree_nodes = indexes
        feature_nodes = jnp.take(features, tree_nodes).reshape(-1, NUM_TREES)
        feature_values = jnp.take_along_axis(x, feature_nodes, axis=1)
        th = jnp.take(thresholds, indexes).reshape(-1, NUM_TREES)
        lf = jnp.take(lefts, indexes).reshape(-1, NUM_TREES)
        rt = jnp.take(rights, indexes).reshape(-1, NUM_TREES)
        indexes = jnp.where(feature_values >= th, rt, lf)
        indexes = (indexes + nodes_offset).reshape(-1)
    output = jnp.take(values, indexes, axis=0).reshape(-1, NUM_TREES, N_CLASSES)
    return output

if __name__ == "__main__":
    import jax
    _d = setup_inputs()
    print(jax.jit(kernel)(*tuple(_d.values())))

</pallas_src>

<mosaic_0001>
#map = affine_map<(d0, d1) -> (0)>
module attributes {stable_mosaic.version = 14 : i64} {
  func.func @_tree_traversal_sc(%arg0: i32, %arg1: i32, %arg2: memref<2097152xf32, #tpu.memory_space<hbm>>, %arg3: memref<224xf32, #tpu.memory_space<hbm>>, %arg4: memref<352xi32, #tpu.memory_space<hbm>>, %arg5: memref<262144xf32, #tpu.memory_space<hbm>>, %arg6: memref<2x16384xf32, #tpu.memory_space<vmem>>, %arg7: memref<224xf32, #tpu.memory_space<vmem>>, %arg8: memref<352xi32, #tpu.memory_space<vmem>>, %arg9: memref<8192xf32, #tpu.memory_space<vmem>>, %arg10: memref<!tpu.dma_semaphore, #tpu.memory_space<semaphore_mem>>, %arg11: memref<!tpu.dma_semaphore, #tpu.memory_space<semaphore_mem>>) attributes {dimension_semantics = [#tpu.dimension_semantics<core_parallel>, #tpu.dimension_semantics<subcore_parallel>], iteration_bounds = array<i64: 2, 16>, scalar_prefetch = 0 : i64, scratch_operands = 6 : i64, tpu.core_type = #tpu.core_type<sc_vector_subcore>, window_params = [{transform_indices = #map}, {transform_indices = #map}, {transform_indices = #map}, {transform_indices = #map}]} {
    %mul3A = arith.constant 2 : i32
    %mul3A_0 = arith.muli %arg1, %mul3A : i32
    %add3A = arith.addi %mul3A_0, %arg0 : i32
    %mul3A_1 = arith.constant 512 : i32
    %mul3A_2 = arith.muli %add3A, %mul3A_1 : i32
    %mul3A_3 = arith.constant 128 : i32
    %mul3A_4 = arith.muli %mul3A_2, %mul3A_3 : i32
    %dma_start3A = arith.constant 0 : i32
    %dma_start3A_5 = arith.constant 0 : i32
    %dma_start3A_6 = tpu.memref_slice %arg6[%dma_start3A, %dma_start3A_5] : memref<2x16384xf32, #tpu.memory_space<vmem>> -> memref<1x16384xf32, #tpu.memory_space<vmem>>
    %dma_start3A_7 = tpu.memref_squeeze %dma_start3A_6 : memref<1x16384xf32, #tpu.memory_space<vmem>> -> memref<16384xf32, #tpu.memory_space<vmem>>
    %dma_start3A_8 = tpu.memref_slice %arg2[%mul3A_4] : memref<2097152xf32, #tpu.memory_space<hbm>> -> memref<16384xf32, #tpu.memory_space<hbm>>
    %dma_start3A_9 = arith.constant 0 : i32
    %dma_start3A_10 = tpu.memref_slice %arg6[%dma_start3A, %dma_start3A_9] : memref<2x16384xf32, #tpu.memory_space<vmem>> -> memref<1x16384xf32, #tpu.memory_space<vmem>>
    %dma_start3A_11 = tpu.memref_squeeze %dma_start3A_10 : memref<1x16384xf32, #tpu.memory_space<vmem>> -> memref<16384xf32, #tpu.memory_space<vmem>>
    %dma_start3A_12 = tpu.memref_slice %arg2[%mul3A_4] : memref<2097152xf32, #tpu.memory_space<hbm>> -> memref<16384xf32, #tpu.memory_space<hbm>>
    tpu.enqueue_dma source(%dma_start3A_12 : memref<16384xf32, #tpu.memory_space<hbm>>) target(%dma_start3A_11 : memref<16384xf32, #tpu.memory_space<vmem>>) target_semaphore(%arg10 : memref<!tpu.dma_semaphore, #tpu.memory_space<semaphore_mem>>)
    "tpu.region"() ({
      %run_scoped3A = tpu.sem_alloc : memref<!tpu.dma_semaphore, #tpu.memory_space<semaphore_mem>>
      tpu.enqueue_dma source(%arg3 : memref<224xf32, #tpu.memory_space<hbm>>) target(%arg7 : memref<224xf32, #tpu.memory_space<vmem>>) target_semaphore(%run_scoped3A : memref<!tpu.dma_semaphore, #tpu.memory_space<semaphore_mem>>)
      tpu.wait_dma2 semaphore(%run_scoped3A : memref<!tpu.dma_semaphore, #tpu.memory_space<semaphore_mem>>) src(%arg3 : memref<224xf32, #tpu.memory_space<hbm>>) dst(%arg7 : memref<224xf32, #tpu.memory_space<vmem>>)
      tpu.yield
    }) : () -> ()
    "tpu.region"() ({
      %run_scoped3A = tpu.sem_alloc : memref<!tpu.dma_semaphore, #tpu.memory_space<semaphore_mem>>
      tpu.enqueue_dma source(%arg4 : memref<352xi32, #tpu.memory_space<hbm>>) target(%arg8 : memref<352xi32, #tpu.memory_space<vmem>>) target_semaphore(%run_scoped3A : memref<!tpu.dma_semaphore, #tpu.memory_space<semaphore_mem>>)
      tpu.wait_dma2 semaphore(%run_scoped3A : memref<!tpu.dma_semaphore, #tpu.memory_space<semaphore_mem>>) src(%arg4 : memref<352xi32, #tpu.memory_space<hbm>>) dst(%arg8 : memref<352xi32, #tpu.memory_space<vmem>>)
      tpu.yield
    }) : () -> ()
    %get3A = arith.constant 336 : index
    %get3A_13 = tpu.vector_load %arg8[%get3A] {strides = array<i32>} : memref<352xi32, #tpu.memory_space<vmem>>, vector<16xi32>,
    %add3A_14 = arith.constant 224 : i32
    %add3A_15 = vector.broadcast %add3A_14 : i32 to vector<16xi32>
    %add3A_16 = arith.addi %get3A_13, %add3A_15 : vector<16xi32>
    %gather3A = tpu.vector_load_idx %arg8[%add3A_16] : memref<352xi32, #tpu.memory_space<vmem>>[vector<16xi32>], vector<16xi32>,
    %gather3A_17 = tpu.vector_load_idx %arg7[%get3A_13] : memref<224xf32, #tpu.memory_space<vmem>>[vector<16xi32>], vector<16xf32>,
    %gather3A_18 = tpu.vector_load_idx %arg8[%get3A_13] : memref<352xi32, #tpu.memory_space<vmem>>[vector<16xi32>], vector<16xi32>,
    %add3A_19 = arith.addi %gather3A_18, %get3A_13 : vector<16xi32>
    %add3A_20 = arith.constant 112 : i32
    %add3A_21 = vector.broadcast %add3A_20 : i32 to vector<16xi32>
    %add3A_22 = arith.addi %get3A_13, %add3A_21 : vector<16xi32>
    %gather3A_23 = tpu.vector_load_idx %arg8[%add3A_22] : memref<352xi32, #tpu.memory_space<vmem>>[vector<16xi32>], vector<16xi32>,
    %add3A_24 = arith.addi %gather3A_23, %get3A_13 : vector<16xi32>
    %add3A_25 = arith.constant 224 : i32
    %add3A_26 = vector.broadcast %add3A_25 : i32 to vector<16xi32>
    %add3A_27 = arith.addi %add3A_19, %add3A_26 : vector<16xi32>
    %gather3A_28 = tpu.vector_load_idx %arg8[%add3A_27] : memref<352xi32, #tpu.memory_space<vmem>>[vector<16xi32>], vector<16xi32>,
    %gather3A_29 = tpu.vector_load_idx %arg7[%add3A_19] : memref<224xf32, #tpu.memory_space<vmem>>[vector<16xi32>], vector<16xf32>,
    %add3A_30 = arith.constant 224 : i32
    %add3A_31 = vector.broadcast %add3A_30 : i32 to vector<16xi32>
    %add3A_32 = arith.addi %add3A_24, %add3A_31 : vector<16xi32>
    %gather3A_33 = tpu.vector_load_idx %arg8[%add3A_32] : memref<352xi32, #tpu.memory_space<vmem>>[vector<16xi32>], vector<16xi32>,
    %gather3A_34 = tpu.vector_load_idx %arg7[%add3A_24] : memref<224xf32, #tpu.memory_space<vmem>>[vector<16xi32>], vector<16xf32>,
    %gather3A_35 = tpu.vector_load_idx %arg8[%add3A_19] : memref<352xi32, #tpu.memory_space<vmem>>[vector<16xi32>], vector<16xi32>,
    %add3A_36 = arith.addi %gather3A_35, %get3A_13 : vector<16xi32>
    %add3A_37 = arith.constant 112 : i32
    %add3A_38 = vector.broadcast %add3A_37 : i32 to vector<16xi32>
    %add3A_39 = arith.addi %add3A_19, %add3A_38 : vector<16xi32>
    %gather3A_40 = tpu.vector_load_idx %arg8[%add3A_39] : memref<352xi32, #tpu.memory_space<vmem>>[vector<16xi32>], vector<16xi32>,
    %add3A_41 = arith.addi %gather3A_40, %get3A_13 : vector<16xi32>
    %gather3A_42 = tpu.vector_load_idx %arg8[%add3A_24] : memref<352xi32, #tpu.memory_space<vmem>>[vector<16xi32>], vector<16xi32>,
    %add3A_43 = arith.addi %gather3A_42, %get3A_13 : vector<16xi32>
    %add3A_44 = arith.constant 112 : i32
    %add3A_45 = vector.broadcast %add3A_44 : i32 to vector<16xi32>
    %add3A_46 = arith.addi %add3A_24, %add3A_45 : vector<16xi32>
    %gather3A_47 = tpu.vector_load_idx %arg8[%add3A_46] : memref<352xi32, #tpu.memory_space<vmem>>[vector<16xi32>], vector<16xi32>,
    %add3A_48 = arith.addi %gather3A_47, %get3A_13 : vector<16xi32>
    %add3A_49 = arith.constant 112 : i32
    %add3A_50 = vector.broadcast %add3A_49 : i32 to vector<16xi32>
    %add3A_51 = arith.addi %add3A_36, %add3A_50 : vector<16xi32>
    %gather3A_52 = tpu.vector_load_idx %arg7[%add3A_51] : memref<224xf32, #tpu.memory_space<vmem>>[vector<16xi32>], vector<16xf32>,
    %add3A_53 = arith.constant 112 : i32
    %add3A_54 = vector.broadcast %add3A_53 : i32 to vector<16xi32>
    %add3A_55 = arith.addi %add3A_41, %add3A_54 : vector<16xi32>
    %gather3A_56 = tpu.vector_load_idx %arg7[%add3A_55] : memref<224xf32, #tpu.memory_space<vmem>>[vector<16xi32>], vector<16xf32>,
    %add3A_57 = arith.constant 112 : i32
    %add3A_58 = vector.broadcast %add3A_57 : i32 to vector<16xi32>
    %add3A_59 = arith.addi %add3A_43, %add3A_58 : vector<16xi32>
    %gather3A_60 = tpu.vector_load_idx %arg7[%add3A_59] : memref<224xf32, #tpu.memory_space<vmem>>[vector<16xi32>], vector<16xf32>,
    %add3A_61 = arith.constant 112 : i32
    %add3A_62 = vector.broadcast %add3A_61 : i32 to vector<16xi32>
    %add3A_63 = arith.addi %add3A_48, %add3A_62 : vector<16xi32>
    %gather3A_64 = tpu.vector_load_idx %arg7[%add3A_63] : memref<224xf32, #tpu.memory_space<vmem>>[vector<16xi32>], vector<16xf32>,
    %add3A_65 = arith.constant 0 : i32
    %add3A_66 = arith.addi %mul3A_2, %add3A_65 : i32
    %mul3A_67 = arith.constant 128 : i32
    %mul3A_68 = arith.muli %add3A_66, %mul3A_67 : i32
    %dma_wait3A = arith.constant 0 : i32
    %dma_wait3A_69 = arith.constant 0 : i32
    %dma_wait3A_70 = tpu.memref_slice %arg6[%dma_wait3A, %dma_wait3A_69] : memref<2x16384xf32, #tpu.memory_space<vmem>> -> memref<1x16384xf32, #tpu.memory_space<vmem>>
    %dma_wait3A_71 = tpu.memref_squeeze %dma_wait3A_70 : memref<1x16384xf32, #tpu.memory_space<vmem>> -> memref<16384xf32, #tpu.memory_space<vmem>>
    %dma_wait3A_72 = tpu.memref_slice %arg2[%mul3A_68] : memref<2097152xf32, #tpu.memory_space<hbm>> -> memref<16384xf32, #tpu.memory_space<hbm>>
    %dma_wait3A_73 = arith.constant 0 : i32
    %dma_wait3A_74 = tpu.memref_slice %arg6[%dma_wait3A, %dma_wait3A_73] : memref<2x16384xf32, #tpu.memory_space<vmem>> -> memref<1x16384xf32, #tpu.memory_space<vmem>>
    %dma_wait3A_75 = tpu.memref_squeeze %dma_wait3A_74 : memref<1x16384xf32, #tpu.memory_space<vmem>> -> memref<16384xf32, #tpu.memory_space<vmem>>
    %dma_wait3A_76 = tpu.memref_slice %arg2[%mul3A_68] : memref<2097152xf32, #tpu.memory_space<hbm>> -> memref<16384xf32, #tpu.memory_space<hbm>>
    tpu.wait_dma2 semaphore(%arg10 : memref<!tpu.dma_semaphore, #tpu.memory_space<semaphore_mem>>) src(%dma_wait3A_76 : memref<16384xf32, #tpu.memory_space<hbm>>) dst(%dma_wait3A_75 : memref<16384xf32, #tpu.memory_space<vmem>>)
    %add3A_77 = arith.constant 128 : i32
    %add3A_78 = arith.addi %mul3A_2, %add3A_77 : i32
    %mul3A_79 = arith.constant 128 : i32
    %mul3A_80 = arith.muli %add3A_78, %mul3A_79 : i32
    %dma_start3A_81 = arith.constant 1 : i32
    %dma_start3A_82 = arith.constant 0 : i32
    %dma_start3A_83 = tpu.memref_slice %arg6[%dma_start3A_81, %dma_start3A_82] : memref<2x16384xf32, #tpu.memory_space<vmem>> -> memref<1x16384xf32, #tpu.memory_space<vmem>>
    %dma_start3A_84 = tpu.memref_squeeze %dma_start3A_83 : memref<1x16384xf32, #tpu.memory_space<vmem>> -> memref<16384xf32, #tpu.memory_space<vmem>>
    %dma_start3A_85 = tpu.memref_slice %arg2[%mul3A_80] : memref<2097152xf32, #tpu.memory_space<hbm>> -> memref<16384xf32, #tpu.memory_space<hbm>>
    %dma_start3A_86 = arith.constant 0 : i32
    %dma_start3A_87 = tpu.memref_slice %arg6[%dma_start3A_81, %dma_start3A_86] : memref<2x16384xf32, #tpu.memory_space<vmem>> -> memref<1x16384xf32, #tpu.memory_space<vmem>>
    %dma_start3A_88 = tpu.memref_squeeze %dma_start3A_87 : memref<1x16384xf32, #tpu.memory_space<vmem>> -> memref<16384xf32, #tpu.memory_space<vmem>>
    %dma_start3A_89 = tpu.memref_slice %arg2[%mul3A_80] : memref<2097152xf32, #tpu.memory_space<hbm>> -> memref<16384xf32, #tpu.memory_space<hbm>>
    tpu.enqueue_dma source(%dma_start3A_89 : memref<16384xf32, #tpu.memory_space<hbm>>) target(%dma_start3A_88 : memref<16384xf32, #tpu.memory_space<vmem>>) target_semaphore(%arg11 : memref<!tpu.dma_semaphore, #tpu.memory_space<semaphore_mem>>)
    %parallel_loop3A = arith.constant 0 : i32
    %parallel_loop3A_90 = arith.constant 128 : i32
    %parallel_loop3A_91 = arith.constant 1 : i32
    %parallel_loop3A_92 = arith.constant 0 : i32
    scf.for %parallel_loop3A_172 = %parallel_loop3A to %parallel_loop3A_90 step %parallel_loop3A_91  : i32 {
      %parallel_loop3A_173 = arith.constant 128 : i32
      %parallel_loop3A_174 = arith.muli %parallel_loop3A_172, %parallel_loop3A_173 : i32
      %parallel_loop3A_175 = vector.broadcast %parallel_loop3A_174 : i32 to vector<16xi32>
      %parallel_loop3A_176 = arith.addi %parallel_loop3A_175, %gather3A : vector<16xi32>
      %parallel_loop3A_177 = arith.constant 0 : i32
      %parallel_loop3A_178 = tpu.memref_slice %arg6[%parallel_loop3A_92, %parallel_loop3A_177] : memref<2x16384xf32, #tpu.memory_space<vmem>> -> memref<1x16384xf32, #tpu.memory_space<vmem>>
      %parallel_loop3A_179 = tpu.memref_squeeze %parallel_loop3A_178 : memref<1x16384xf32, #tpu.memory_space<vmem>> -> memref<16384xf32, #tpu.memory_space<vmem>>
      %parallel_loop3A_180 = tpu.vector_load_idx %parallel_loop3A_179[%parallel_loop3A_176] : memref<16384xf32, #tpu.memory_space<vmem>>[vector<16xi32>], vector<16xf32>,
      %parallel_loop3A_181 = arith.addi %parallel_loop3A_175, %gather3A_28 : vector<16xi32>
      %parallel_loop3A_182 = arith.constant 0 : i32
      %parallel_loop3A_183 = tpu.memref_slice %arg6[%parallel_loop3A_92, %parallel_loop3A_182] : memref<2x16384xf32, #tpu.memory_space<vmem>> -> memref<1x16384xf32, #tpu.memory_space<vmem>>
      %parallel_loop3A_184 = tpu.memref_squeeze %parallel_loop3A_183 : memref<1x16384xf32, #tpu.memory_space<vmem>> -> memref<16384xf32, #tpu.memory_space<vmem>>
      %parallel_loop3A_185 = tpu.vector_load_idx %parallel_loop3A_184[%parallel_loop3A_181] : memref<16384xf32, #tpu.memory_space<vmem>>[vector<16xi32>], vector<16xf32>,
      %parallel_loop3A_186 = arith.addi %parallel_loop3A_175, %gather3A_33 : vector<16xi32>
      %parallel_loop3A_187 = arith.constant 0 : i32
      %parallel_loop3A_188 = tpu.memref_slice %arg6[%parallel_loop3A_92, %parallel_loop3A_187] : memref<2x16384xf32, #tpu.memory_space<vmem>> -> memref<1x16384xf32, #tpu.memory_space<vmem>>
      %parallel_loop3A_189 = tpu.memref_squeeze %parallel_loop3A_188 : memref<1x16384xf32, #tpu.memory_space<vmem>> -> memref<16384xf32, #tpu.memory_space<vmem>>
      %parallel_loop3A_190 = tpu.vector_load_idx %parallel_loop3A_189[%parallel_loop3A_186] : memref<16384xf32, #tpu.memory_space<vmem>>[vector<16xi32>], vector<16xf32>,
      %parallel_loop3A_191 = arith.cmpf oge, %parallel_loop3A_185, %gather3A_29 : vector<16xf32>
      %parallel_loop3A_192 = arith.select %parallel_loop3A_191, %gather3A_56, %gather3A_52 : vector<16xi1>, vector<16xf32>
      %parallel_loop3A_193 = arith.cmpf oge, %parallel_loop3A_190, %gather3A_34 : vector<16xf32>
      %parallel_loop3A_194 = arith.select %parallel_loop3A_193, %gather3A_64, %gather3A_60 : vector<16xi1>, vector<16xf32>
      %parallel_loop3A_195 = arith.cmpf oge, %parallel_loop3A_180, %gather3A_17 : vector<16xf32>
      %parallel_loop3A_196 = arith.select %parallel_loop3A_195, %parallel_loop3A_194, %parallel_loop3A_192 : vector<16xi1>, vector<16xf32>
      %parallel_loop3A_197 = arith.constant 0 : i32
      %parallel_loop3A_198 = arith.addi %parallel_loop3A_197, %parallel_loop3A_172 : i32
      %parallel_loop3A_199 = arith.constant 16 : i32
      %parallel_loop3A_200 = arith.muli %parallel_loop3A_198, %parallel_loop3A_199 : i32
      %parallel_loop3A_201 = arith.index_cast %parallel_loop3A_200 : i32 to index
      %parallel_loop3A_202 = tpu.vector_load %arg9[%parallel_loop3A_201] {strides = array<i32>} : memref<8192xf32, #tpu.memory_space<vmem>>, vector<16xf32>,
      tpu.vector_store %arg9[%parallel_loop3A_201], %parallel_loop3A_196 {strides = array<i32>} : memref<8192xf32, #tpu.memory_space<vmem>>, vector<16xf32>,
    } {sc.loop_unroll_factor = 8 : i64, sc.parallel_access}
    %add3A_93 = arith.constant 128 : i32
    %add3A_94 = arith.addi %mul3A_2, %add3A_93 : i32
    %mul3A_95 = arith.constant 128 : i32
    %mul3A_96 = arith.muli %add3A_94, %mul3A_95 : i32
    %dma_wait3A_97 = arith.constant 1 : i32
    %dma_wait3A_98 = arith.constant 0 : i32
    %dma_wait3A_99 = tpu.memref_slice %arg6[%dma_wait3A_97, %dma_wait3A_98] : memref<2x16384xf32, #tpu.memory_space<vmem>> -> memref<1x16384xf32, #tpu.memory_space<vmem>>
    %dma_wait3A_100 = tpu.memref_squeeze %dma_wait3A_99 : memref<1x16384xf32, #tpu.memory_space<vmem>> -> memref<16384xf32, #tpu.memory_space<vmem>>
    %dma_wait3A_101 = tpu.memref_slice %arg2[%mul3A_96] : memref<2097152xf32, #tpu.memory_space<hbm>> -> memref<16384xf32, #tpu.memory_space<hbm>>
    %dma_wait3A_102 = arith.constant 0 : i32
    %dma_wait3A_103 = tpu.memref_slice %arg6[%dma_wait3A_97, %dma_wait3A_102] : memref<2x16384xf32, #tpu.memory_space<vmem>> -> memref<1x16384xf32, #tpu.memory_space<vmem>>
    %dma_wait3A_104 = tpu.memref_squeeze %dma_wait3A_103 : memref<1x16384xf32, #tpu.memory_space<vmem>> -> memref<16384xf32, #tpu.memory_space<vmem>>
    %dma_wait3A_105 = tpu.memref_slice %arg2[%mul3A_96] : memref<2097152xf32, #tpu.memory_space<hbm>> -> memref<16384xf32, #tpu.memory_space<hbm>>
    tpu.wait_dma2 semaphore(%arg11 : memref<!tpu.dma_semaphore, #tpu.memory_space<semaphore_mem>>) src(%dma_wait3A_105 : memref<16384xf32, #tpu.memory_space<hbm>>) dst(%dma_wait3A_104 : memref<16384xf32, #tpu.memory_space<vmem>>)
    %add3A_106 = arith.constant 256 : i32
    %add3A_107 = arith.addi %mul3A_2, %add3A_106 : i32
    %mul3A_108 = arith.constant 128 : i32
    %mul3A_109 = arith.muli %add3A_107, %mul3A_108 : i32
    %dma_start3A_110 = arith.constant 0 : i32
    %dma_start3A_111 = arith.constant 0 : i32
    %dma_start3A_112 = tpu.memref_slice %arg6[%dma_start3A_110, %dma_start3A_111] : memref<2x16384xf32, #tpu.memory_space<vmem>> -> memref<1x16384xf32, #tpu.memory_space<vmem>>
    %dma_start3A_113 = tpu.memref_squeeze %dma_start3A_112 : memref<1x16384xf32, #tpu.memory_space<vmem>> -> memref<16384xf32, #tpu.memory_space<vmem>>
    %dma_start3A_114 = tpu.memref_slice %arg2[%mul3A_109] : memref<2097152xf32, #tpu.memory_space<hbm>> -> memref<16384xf32, #tpu.memory_space<hbm>>
    %dma_start3A_115 = arith.constant 0 : i32
    %dma_start3A_116 = tpu.memref_slice %arg6[%dma_start3A_110, %dma_start3A_115] : memref<2x16384xf32, #tpu.memory_space<vmem>> -> memref<1x16384xf32, #tpu.memory_space<vmem>>
    %dma_start3A_117 = tpu.memref_squeeze %dma_start3A_116 : memref<1x16384xf32, #tpu.memory_space<vmem>> -> memref<16384xf32, #tpu.memory_space<vmem>>
    %dma_start3A_118 = tpu.memref_slice %arg2[%mul3A_109] : memref<2097152xf32, #tpu.memory_space<hbm>> -> memref<16384xf32, #tpu.memory_space<hbm>>
    tpu.enqueue_dma source(%dma_start3A_118 : memref<16384xf32, #tpu.memory_space<hbm>>) target(%dma_start3A_117 : memref<16384xf32, #tpu.memory_space<vmem>>) target_semaphore(%arg10 : memref<!tpu.dma_semaphore, #tpu.memory_space<semaphore_mem>>)
    %parallel_loop3A_119 = arith.constant 0 : i32
    %parallel_loop3A_120 = arith.constant 128 : i32
    %parallel_loop3A_121 = arith.constant 1 : i32
    %parallel_loop3A_122 = arith.constant 1 : i32
    scf.for %parallel_loop3A_172 = %parallel_loop3A_119 to %parallel_loop3A_120 step %parallel_loop3A_121  : i32 {
      %parallel_loop3A_173 = arith.constant 128 : i32
      %parallel_loop3A_174 = arith.muli %parallel_loop3A_172, %parallel_loop3A_173 : i32
      %parallel_loop3A_175 = vector.broadcast %parallel_loop3A_174 : i32 to vector<16xi32>
      %parallel_loop3A_176 = arith.addi %parallel_loop3A_175, %gather3A : vector<16xi32>
      %parallel_loop3A_177 = arith.constant 0 : i32
      %parallel_loop3A_178 = tpu.memref_slice %arg6[%parallel_loop3A_122, %parallel_loop3A_177] : memref<2x16384xf32, #tpu.memory_space<vmem>> -> memref<1x16384xf32, #tpu.memory_space<vmem>>
      %parallel_loop3A_179 = tpu.memref_squeeze %parallel_loop3A_178 : memref<1x16384xf32, #tpu.memory_space<vmem>> -> memref<16384xf32, #tpu.memory_space<vmem>>
      %parallel_loop3A_180 = tpu.vector_load_idx %parallel_loop3A_179[%parallel_loop3A_176] : memref<16384xf32, #tpu.memory_space<vmem>>[vector<16xi32>], vector<16xf32>,
      %parallel_loop3A_181 = arith.addi %parallel_loop3A_175, %gather3A_28 : vector<16xi32>
      %parallel_loop3A_182 = arith.constant 0 : i32
      %parallel_loop3A_183 = tpu.memref_slice %arg6[%parallel_loop3A_122, %parallel_loop3A_182] : memref<2x16384xf32, #tpu.memory_space<vmem>> -> memref<1x16384xf32, #tpu.memory_space<vmem>>
      %parallel_loop3A_184 = tpu.memref_squeeze %parallel_loop3A_183 : memref<1x16384xf32, #tpu.memory_space<vmem>> -> memref<16384xf32, #tpu.memory_space<vmem>>
      %parallel_loop3A_185 = tpu.vector_load_idx %parallel_loop3A_184[%parallel_loop3A_181] : memref<16384xf32, #tpu.memory_space<vmem>>[vector<16xi32>], vector<16xf32>,
      %parallel_loop3A_186 = arith.addi %parallel_loop3A_175, %gather3A_33 : vector<16xi32>
      %parallel_loop3A_187 = arith.constant 0 : i32
      %parallel_loop3A_188 = tpu.memref_slice %arg6[%parallel_loop3A_122, %parallel_loop3A_187] : memref<2x16384xf32, #tpu.memory_space<vmem>> -> memref<1x16384xf32, #tpu.memory_space<vmem>>
      %parallel_loop3A_189 = tpu.memref_squeeze %parallel_loop3A_188 : memref<1x16384xf32, #tpu.memory_space<vmem>> -> memref<16384xf32, #tpu.memory_space<vmem>>
      %parallel_loop3A_190 = tpu.vector_load_idx %parallel_loop3A_189[%parallel_loop3A_186] : memref<16384xf32, #tpu.memory_space<vmem>>[vector<16xi32>], vector<16xf32>,
      %parallel_loop3A_191 = arith.cmpf oge, %parallel_loop3A_185, %gather3A_29 : vector<16xf32>
      %parallel_loop3A_192 = arith.select %parallel_loop3A_191, %gather3A_56, %gather3A_52 : vector<16xi1>, vector<16xf32>
      %parallel_loop3A_193 = arith.cmpf oge, %parallel_loop3A_190, %gather3A_34 : vector<16xf32>
      %parallel_loop3A_194 = arith.select %parallel_loop3A_193, %gather3A_64, %gather3A_60 : vector<16xi1>, vector<16xf32>
      %parallel_loop3A_195 = arith.cmpf oge, %parallel_loop3A_180, %gather3A_17 : vector<16xf32>
      %parallel_loop3A_196 = arith.select %parallel_loop3A_195, %parallel_loop3A_194, %parallel_loop3A_192 : vector<16xi1>, vector<16xf32>
      %parallel_loop3A_197 = arith.constant 128 : i32
      %parallel_loop3A_198 = arith.addi %parallel_loop3A_197, %parallel_loop3A_172 : i32
      %parallel_loop3A_199 = arith.constant 16 : i32
      %parallel_loop3A_200 = arith.muli %parallel_loop3A_198, %parallel_loop3A_199 : i32
      %parallel_loop3A_201 = arith.index_cast %parallel_loop3A_200 : i32 to index
      %parallel_loop3A_202 = tpu.vector_load %arg9[%parallel_loop3A_201] {strides = array<i32>} : memref<8192xf32, #tpu.memory_space<vmem>>, vector<16xf32>,
      tpu.vector_store %arg9[%parallel_loop3A_201], %parallel_loop3A_196 {strides = array<i32>} : memref<8192xf32, #tpu.memory_space<vmem>>, vector<16xf32>,
    } {sc.loop_unroll_factor = 8 : i64, sc.parallel_access}
    %add3A_123 = arith.constant 256 : i32
    %add3A_124 = arith.addi %mul3A_2, %add3A_123 : i32
    %mul3A_125 = arith.constant 128 : i32
    %mul3A_126 = arith.muli %add3A_124, %mul3A_125 : i32
    %dma_wait3A_127 = arith.constant 0 : i32
    %dma_wait3A_128 = arith.constant 0 : i32
    %dma_wait3A_129 = tpu.memref_slice %arg6[%dma_wait3A_127, %dma_wait3A_128] : memref<2x16384xf32, #tpu.memory_space<vmem>> -> memref<1x16384xf32, #tpu.memory_space<vmem>>
    %dma_wait3A_130 = tpu.memref_squeeze %dma_wait3A_129 : memref<1x16384xf32, #tpu.memory_space<vmem>> -> memref<16384xf32, #tpu.memory_space<vmem>>
    %dma_wait3A_131 = tpu.memref_slice %arg2[%mul3A_126] : memref<2097152xf32, #tpu.memory_space<hbm>> -> memref<16384xf32, #tpu.memory_space<hbm>>
    %dma_wait3A_132 = arith.constant 0 : i32
    %dma_wait3A_133 = tpu.memref_slice %arg6[%dma_wait3A_127, %dma_wait3A_132] : memref<2x16384xf32, #tpu.memory_space<vmem>> -> memref<1x16384xf32, #tpu.memory_space<vmem>>
    %dma_wait3A_134 = tpu.memref_squeeze %dma_wait3A_133 : memref<1x16384xf32, #tpu.memory_space<vmem>> -> memref<16384xf32, #tpu.memory_space<vmem>>
    %dma_wait3A_135 = tpu.memref_slice %arg2[%mul3A_126] : memref<2097152xf32, #tpu.memory_space<hbm>> -> memref<16384xf32, #tpu.memory_space<hbm>>
    tpu.wait_dma2 semaphore(%arg10 : memref<!tpu.dma_semaphore, #tpu.memory_space<semaphore_mem>>) src(%dma_wait3A_135 : memref<16384xf32, #tpu.memory_space<hbm>>) dst(%dma_wait3A_134 : memref<16384xf32, #tpu.memory_space<vmem>>)
    %add3A_136 = arith.constant 384 : i32
    %add3A_137 = arith.addi %mul3A_2, %add3A_136 : i32
    %mul3A_138 = arith.constant 128 : i32
    %mul3A_139 = arith.muli %add3A_137, %mul3A_138 : i32
    %dma_start3A_140 = arith.constant 1 : i32
    %dma_start3A_141 = arith.constant 0 : i32
    %dma_start3A_142 = tpu.memref_slice %arg6[%dma_start3A_140, %dma_start3A_141] : memref<2x16384xf32, #tpu.memory_space<vmem>> -> memref<1x16384xf32, #tpu.memory_space<vmem>>
    %dma_start3A_143 = tpu.memref_squeeze %dma_start3A_142 : memref<1x16384xf32, #tpu.memory_space<vmem>> -> memref<16384xf32, #tpu.memory_space<vmem>>
    %dma_start3A_144 = tpu.memref_slice %arg2[%mul3A_139] : memref<2097152xf32, #tpu.memory_space<hbm>> -> memref<16384xf32, #tpu.memory_space<hbm>>
    %dma_start3A_145 = arith.constant 0 : i32
    %dma_start3A_146 = tpu.memref_slice %arg6[%dma_start3A_140, %dma_start3A_145] : memref<2x16384xf32, #tpu.memory_space<vmem>> -> memref<1x16384xf32, #tpu.memory_space<vmem>>
    %dma_start3A_147 = tpu.memref_squeeze %dma_start3A_146 : memref<1x16384xf32, #tpu.memory_space<vmem>> -> memref<16384xf32, #tpu.memory_space<vmem>>
    %dma_start3A_148 = tpu.memref_slice %arg2[%mul3A_139] : memref<2097152xf32, #tpu.memory_space<hbm>> -> memref<16384xf32, #tpu.memory_space<hbm>>
    tpu.enqueue_dma source(%dma_start3A_148 : memref<16384xf32, #tpu.memory_space<hbm>>) target(%dma_start3A_147 : memref<16384xf32, #tpu.memory_space<vmem>>) target_semaphore(%arg11 : memref<!tpu.dma_semaphore, #tpu.memory_space<semaphore_mem>>)
    %parallel_loop3A_149 = arith.constant 0 : i32
    %parallel_loop3A_150 = arith.constant 128 : i32
    %parallel_loop3A_151 = arith.constant 1 : i32
    %parallel_loop3A_152 = arith.constant 0 : i32
    scf.for %parallel_loop3A_172 = %parallel_loop3A_149 to %parallel_loop3A_150 step %parallel_loop3A_151  : i32 {
      %parallel_loop3A_173 = arith.constant 128 : i32
      %parallel_loop3A_174 = arith.muli %parallel_loop3A_172, %parallel_loop3A_173 : i32
      %parallel_loop3A_175 = vector.broadcast %parallel_loop3A_174 : i32 to vector<16xi32>
      %parallel_loop3A_176 = arith.addi %parallel_loop3A_175, %gather3A : vector<16xi32>
      %parallel_loop3A_177 = arith.constant 0 : i32
      %parallel_loop3A_178 = tpu.memref_slice %arg6[%parallel_loop3A_152, %parallel_loop3A_177] : memref<2x16384xf32, #tpu.memory_space<vmem>> -> memref<1x16384xf32, #tpu.memory_space<vmem>>
      %parallel_loop3A_179 = tpu.memref_squeeze %parallel_loop3A_178 : memref<1x16384xf32, #tpu.memory_space<vmem>> -> memref<16384xf32, #tpu.memory_space<vmem>>
      %parallel_loop3A_180 = tpu.vector_load_idx %parallel_loop3A_179[%parallel_loop3A_176] : memref<16384xf32, #tpu.memory_space<vmem>>[vector<16xi32>], vector<16xf32>,
      %parallel_loop3A_181 = arith.addi %parallel_loop3A_175, %gather3A_28 : vector<16xi32>
      %parallel_loop3A_182 = arith.constant 0 : i32
      %parallel_loop3A_183 = tpu.memref_slice %arg6[%parallel_loop3A_152, %parallel_loop3A_182] : memref<2x16384xf32, #tpu.memory_space<vmem>> -> memref<1x16384xf32, #tpu.memory_space<vmem>>
      %parallel_loop3A_184 = tpu.memref_squeeze %parallel_loop3A_183 : memref<1x16384xf32, #tpu.memory_space<vmem>> -> memref<16384xf32, #tpu.memory_space<vmem>>
      %parallel_loop3A_185 = tpu.vector_load_idx %parallel_loop3A_184[%parallel_loop3A_181] : memref<16384xf32, #tpu.memory_space<vmem>>[vector<16xi32>], vector<16xf32>,
      %parallel_loop3A_186 = arith.addi %parallel_loop3A_175, %gather3A_33 : vector<16xi32>
      %parallel_loop3A_187 = arith.constant 0 : i32
      %parallel_loop3A_188 = tpu.memref_slice %arg6[%parallel_loop3A_152, %parallel_loop3A_187] : memref<2x16384xf32, #tpu.memory_space<vmem>> -> memref<1x16384xf32, #tpu.memory_space<vmem>>
      %parallel_loop3A_189 = tpu.memref_squeeze %parallel_loop3A_188 : memref<1x16384xf32, #tpu.memory_space<vmem>> -> memref<16384xf32, #tpu.memory_space<vmem>>
      %parallel_loop3A_190 = tpu.vector_load_idx %parallel_loop3A_189[%parallel_loop3A_186] : memref<16384xf32, #tpu.memory_space<vmem>>[vector<16xi32>], vector<16xf32>,
      %parallel_loop3A_191 = arith.cmpf oge, %parallel_loop3A_185, %gather3A_29 : vector<16xf32>
      %parallel_loop3A_192 = arith.select %parallel_loop3A_191, %gather3A_56, %gather3A_52 : vector<16xi1>, vector<16xf32>
      %parallel_loop3A_193 = arith.cmpf oge, %parallel_loop3A_190, %gather3A_34 : vector<16xf32>
      %parallel_loop3A_194 = arith.select %parallel_loop3A_193, %gather3A_64, %gather3A_60 : vector<16xi1>, vector<16xf32>
      %parallel_loop3A_195 = arith.cmpf oge, %parallel_loop3A_180, %gather3A_17 : vector<16xf32>
      %parallel_loop3A_196 = arith.select %parallel_loop3A_195, %parallel_loop3A_194, %parallel_loop3A_192 : vector<16xi1>, vector<16xf32>
      %parallel_loop3A_197 = arith.constant 256 : i32
      %parallel_loop3A_198 = arith.addi %parallel_loop3A_197, %parallel_loop3A_172 : i32
      %parallel_loop3A_199 = arith.constant 16 : i32
      %parallel_loop3A_200 = arith.muli %parallel_loop3A_198, %parallel_loop3A_199 : i32
      %parallel_loop3A_201 = arith.index_cast %parallel_loop3A_200 : i32 to index
      %parallel_loop3A_202 = tpu.vector_load %arg9[%parallel_loop3A_201] {strides = array<i32>} : memref<8192xf32, #tpu.memory_space<vmem>>, vector<16xf32>,
      tpu.vector_store %arg9[%parallel_loop3A_201], %parallel_loop3A_196 {strides = array<i32>} : memref<8192xf32, #tpu.memory_space<vmem>>, vector<16xf32>,
    } {sc.loop_unroll_factor = 8 : i64, sc.parallel_access}
    %add3A_153 = arith.constant 384 : i32
    %add3A_154 = arith.addi %mul3A_2, %add3A_153 : i32
    %mul3A_155 = arith.constant 128 : i32
    %mul3A_156 = arith.muli %add3A_154, %mul3A_155 : i32
    %dma_wait3A_157 = arith.constant 1 : i32
    %dma_wait3A_158 = arith.constant 0 : i32
    %dma_wait3A_159 = tpu.memref_slice %arg6[%dma_wait3A_157, %dma_wait3A_158] : memref<2x16384xf32, #tpu.memory_space<vmem>> -> memref<1x16384xf32, #tpu.memory_space<vmem>>
    %dma_wait3A_160 = tpu.memref_squeeze %dma_wait3A_159 : memref<1x16384xf32, #tpu.memory_space<vmem>> -> memref<16384xf32, #tpu.memory_space<vmem>>
    %dma_wait3A_161 = tpu.memref_slice %arg2[%mul3A_156] : memref<2097152xf32, #tpu.memory_space<hbm>> -> memref<16384xf32, #tpu.memory_space<hbm>>
    %dma_wait3A_162 = arith.constant 0 : i32
    %dma_wait3A_163 = tpu.memref_slice %arg6[%dma_wait3A_157, %dma_wait3A_162] : memref<2x16384xf32, #tpu.memory_space<vmem>> -> memref<1x16384xf32, #tpu.memory_space<vmem>>
    %dma_wait3A_164 = tpu.memref_squeeze %dma_wait3A_163 : memref<1x16384xf32, #tpu.memory_space<vmem>> -> memref<16384xf32, #tpu.memory_space<vmem>>
    %dma_wait3A_165 = tpu.memref_slice %arg2[%mul3A_156] : memref<2097152xf32, #tpu.memory_space<hbm>> -> memref<16384xf32, #tpu.memory_space<hbm>>
    tpu.wait_dma2 semaphore(%arg11 : memref<!tpu.dma_semaphore, #tpu.memory_space<semaphore_mem>>) src(%dma_wait3A_165 : memref<16384xf32, #tpu.memory_space<hbm>>) dst(%dma_wait3A_164 : memref<16384xf32, #tpu.memory_space<vmem>>)
    %parallel_loop3A_166 = arith.constant 0 : i32
    %parallel_loop3A_167 = arith.constant 128 : i32
    %parallel_loop3A_168 = arith.constant 1 : i32
    %parallel_loop3A_169 = arith.constant 1 : i32
    scf.for %parallel_loop3A_172 = %parallel_loop3A_166 to %parallel_loop3A_167 step %parallel_loop3A_168  : i32 {
      %parallel_loop3A_173 = arith.constant 128 : i32
      %parallel_loop3A_174 = arith.muli %parallel_loop3A_172, %parallel_loop3A_173 : i32
      %parallel_loop3A_175 = vector.broadcast %parallel_loop3A_174 : i32 to vector<16xi32>
      %parallel_loop3A_176 = arith.addi %parallel_loop3A_175, %gather3A : vector<16xi32>
      %parallel_loop3A_177 = arith.constant 0 : i32
      %parallel_loop3A_178 = tpu.memref_slice %arg6[%parallel_loop3A_169, %parallel_loop3A_177] : memref<2x16384xf32, #tpu.memory_space<vmem>> -> memref<1x16384xf32, #tpu.memory_space<vmem>>
      %parallel_loop3A_179 = tpu.memref_squeeze %parallel_loop3A_178 : memref<1x16384xf32, #tpu.memory_space<vmem>> -> memref<16384xf32, #tpu.memory_space<vmem>>
      %parallel_loop3A_180 = tpu.vector_load_idx %parallel_loop3A_179[%parallel_loop3A_176] : memref<16384xf32, #tpu.memory_space<vmem>>[vector<16xi32>], vector<16xf32>,
      %parallel_loop3A_181 = arith.addi %parallel_loop3A_175, %gather3A_28 : vector<16xi32>
      %parallel_loop3A_182 = arith.constant 0 : i32
      %parallel_loop3A_183 = tpu.memref_slice %arg6[%parallel_loop3A_169, %parallel_loop3A_182] : memref<2x16384xf32, #tpu.memory_space<vmem>> -> memref<1x16384xf32, #tpu.memory_space<vmem>>
      %parallel_loop3A_184 = tpu.memref_squeeze %parallel_loop3A_183 : memref<1x16384xf32, #tpu.memory_space<vmem>> -> memref<16384xf32, #tpu.memory_space<vmem>>
      %parallel_loop3A_185 = tpu.vector_load_idx %parallel_loop3A_184[%parallel_loop3A_181] : memref<16384xf32, #tpu.memory_space<vmem>>[vector<16xi32>], vector<16xf32>,
      %parallel_loop3A_186 = arith.addi %parallel_loop3A_175, %gather3A_33 : vector<16xi32>
      %parallel_loop3A_187 = arith.constant 0 : i32
      %parallel_loop3A_188 = tpu.memref_slice %arg6[%parallel_loop3A_169, %parallel_loop3A_187] : memref<2x16384xf32, #tpu.memory_space<vmem>> -> memref<1x16384xf32, #tpu.memory_space<vmem>>
      %parallel_loop3A_189 = tpu.memref_squeeze %parallel_loop3A_188 : memref<1x16384xf32, #tpu.memory_space<vmem>> -> memref<16384xf32, #tpu.memory_space<vmem>>
      %parallel_loop3A_190 = tpu.vector_load_idx %parallel_loop3A_189[%parallel_loop3A_186] : memref<16384xf32, #tpu.memory_space<vmem>>[vector<16xi32>], vector<16xf32>,
      %parallel_loop3A_191 = arith.cmpf oge, %parallel_loop3A_185, %gather3A_29 : vector<16xf32>
      %parallel_loop3A_192 = arith.select %parallel_loop3A_191, %gather3A_56, %gather3A_52 : vector<16xi1>, vector<16xf32>
      %parallel_loop3A_193 = arith.cmpf oge, %parallel_loop3A_190, %gather3A_34 : vector<16xf32>
      %parallel_loop3A_194 = arith.select %parallel_loop3A_193, %gather3A_64, %gather3A_60 : vector<16xi1>, vector<16xf32>
      %parallel_loop3A_195 = arith.cmpf oge, %parallel_loop3A_180, %gather3A_17 : vector<16xf32>
      %parallel_loop3A_196 = arith.select %parallel_loop3A_195, %parallel_loop3A_194, %parallel_loop3A_192 : vector<16xi1>, vector<16xf32>
      %parallel_loop3A_197 = arith.constant 384 : i32
      %parallel_loop3A_198 = arith.addi %parallel_loop3A_197, %parallel_loop3A_172 : i32
      %parallel_loop3A_199 = arith.constant 16 : i32
      %parallel_loop3A_200 = arith.muli %parallel_loop3A_198, %parallel_loop3A_199 : i32
      %parallel_loop3A_201 = arith.index_cast %parallel_loop3A_200 : i32 to index
      %parallel_loop3A_202 = tpu.vector_load %arg9[%parallel_loop3A_201] {strides = array<i32>} : memref<8192xf32, #tpu.memory_space<vmem>>, vector<16xf32>,
      tpu.vector_store %arg9[%parallel_loop3A_201], %parallel_loop3A_196 {strides = array<i32>} : memref<8192xf32, #tpu.memory_space<vmem>>, vector<16xf32>,
    } {sc.loop_unroll_factor = 8 : i64, sc.parallel_access}
    %mul3A_170 = arith.constant 16 : i32
    %mul3A_171 = arith.muli %mul3A_2, %mul3A_170 : i32
    "tpu.region"() ({
      %run_scoped3A = tpu.sem_alloc : memref<!tpu.dma_semaphore, #tpu.memory_space<semaphore_mem>>
      %dma_start3A_172 = tpu.memref_slice %arg5[%mul3A_171] : memref<262144xf32, #tpu.memory_space<hbm>> -> memref<8192xf32, #tpu.memory_space<hbm>>
      %dma_start3A_173 = tpu.memref_slice %arg5[%mul3A_171] : memref<262144xf32, #tpu.memory_space<hbm>> -> memref<8192xf32, #tpu.memory_space<hbm>>
      tpu.enqueue_dma source(%arg9 : memref<8192xf32, #tpu.memory_space<vmem>>) target(%dma_start3A_173 : memref<8192xf32, #tpu.memory_space<hbm>>) target_semaphore(%run_scoped3A : memref<!tpu.dma_semaphore, #tpu.memory_space<semaphore_mem>>)
      %dma_wait3A_174 = tpu.memref_slice %arg5[%mul3A_171] : memref<262144xf32, #tpu.memory_space<hbm>> -> memref<8192xf32, #tpu.memory_space<hbm>>
      %dma_wait3A_175 = tpu.memref_slice %arg5[%mul3A_171] : memref<262144xf32, #tpu.memory_space<hbm>> -> memref<8192xf32, #tpu.memory_space<hbm>>
      tpu.wait_dma2 semaphore(%run_scoped3A : memref<!tpu.dma_semaphore, #tpu.memory_space<semaphore_mem>>) src(%arg9 : memref<8192xf32, #tpu.memory_space<vmem>>) dst(%dma_wait3A_175 : memref<8192xf32, #tpu.memory_space<hbm>>)
      tpu.yield
    }) : () -> ()
    return
  }
}

</mosaic_0001>

<sc_bundles>
// kernel: kernel.3.cloned.1.call-start
scs
__scs_entry_jumppad:
0x0: {  	(pc) =	sbr.rel $0x88, $3  }
0x1: {  	(tag) =	ssettag $0x0;
	lr =	simm.s32 $0x1  }
0x2: {  	[smem:$0x3F9A] =	sst lr;
	_ =	strace $0xD0000000  }
0x3: {  	_ = 	snop  }
0x4: {  	_ = 	snop  }
0x5: {  	_ = 	snop  }
0x6: {  	_ = 	snop  }
0x7: {  	_ = 	snop  }
__scs_overlays_trampoline_lowered:
0x8: {  	[smem:$0x3FA9] =	sst s0  }
0x9: {  	[smem:$0x3FAA] =	sst s1  }
0xa: {  	[smem:$0x3FAB] =	sst s2  }
0xb: {  	[smem:$0x3FAC] =	sst s3  }
0xc: {  	[smem:$0x3FAD] =	sst s4  }
0xd: {  	[smem:$0x3FAE] =	sst s5  }
0xe: {  	[smem:$0x3FAF] =	sst s6  }
0xf: {  	[smem:$0x3FB0] =	sst s7  }
0x10: {  	[smem:$0x3FB1] =	sst s8  }
0x11: {  	[smem:$0x3FB2] =	sst s9;
	s0 =	simm.s32 @!p0 $0x0  }
0x12: {  	s1 =	sld [smem:$0x3F98];
	s0 =	simm.s32 @p0 $0x1  }
0x13: {  	[smem:$0x3FB3] =	sst s0;
	s0 =	simm.s32 @!p1 $0x0  }
0x14: {  	s2 =	sld [smem:$0x3F97];
	s0 =	simm.s32 @p1 $0x1  }
0x15: {  	[smem:$0x3FB4] =	sst s0;
	s0 =	simm.s32 @!p2 $0x0  }
0x16: {  	s3 =	sld [smem:$0x3FDB];
	s0 =	simm.s32 @p2 $0x1  }
0x17: {  	s4 =	simm.s32 $0x1BF5;
	[smem:$0x3FB6] =	sst s0  }
0x18: {  	s0 =	sld [smem:$0x3F99];
	_ =	swait.ge [sflag:s4], $0x0  }
0x19: {  	s7 =	sld [smem:$0x3F9A]  }
0x1a: {  	s8 =	sadd.s32 $0xFFFFE003, lr  }
0x1b: {  	s9 =	sadd.s32 $0xFFFFFEF7, lr;
	s5 =	simm.s32 $0xFFFFFFFF;
	p2 =	slt.u32 s8, $0xFFFFF086  }
0x1c: {  	p1 =	slt.u32 s9, $0xF7A;
	s5 =	simm.s32 @!p2 $0x0  }
0x1d: {  	s5 =	simm.s32 @p1 $0x1;
	p0 =	seq.s32 s7, s2  }
0x1e: {  	s7 =	smul.u32 @!p0 $0xF7A, s2;
	p2 =	seq.s32 @!p0 s5, $0x0  }
0x1f: {  	s9 =	smul.u32 $0xF7A, s1;
	s8 =	simm.s32 @!p0 $0x1BF5;
	p2 =	por !p2, p0  }
0x20: {  	[sflag:s8] =	ssyncset.s32 @!p0 $0xFFFFF086;
	s6 =	sadd.s32 @!p0 s3, s7;
	s7 =	simm.s32 @!p0 $0x108  }
0x21: {  	s3 =	sadd.s32 s3, s9;
	s6 =	sadd.s32 @!p0 $0x88, s6;
	s7 =	simm.s32 @p2 $0x1082  }
0x22: {  	[simem:s7], [sflag:s8] =	dma.local @!p0 [hbm:s6], $0xF7A  }
0x23: {  	s9 =	sor.u32 $0xD0000000, s2;
	s6 =	simm.s32 $0x108;
	_ =	swait.ge @!p0 [sflag:s8], $0x0  }
0x24: {  	s3 =	sadd.s32 $0x88, s3;
	s6 =	simm.s32 @!p1 $0x1082;
	[sflag:s4] =	ssyncset.s32 $0xFFFFF086  }
0x25: {  	[simem:s6], [sflag:s4] =	dma.local [hbm:s3], $0xF7A  }
0x26: {  	[smem:$0x3F9A] =	sst s1;
	(tag) =	ssettag s2;
	_ =	strace s9  }
0x27: {  	s1 =	sld [smem:$0x3FAA]  }
0x28: {  	s2 =	sld [smem:$0x3FAB]  }
0x29: {  	s4 =	sld [smem:$0x3FAD]  }
0x2a: {  	p0 =	seq.s32 s5, $0x0;
	s5 =	sld [smem:$0x3FAE]  }
0x2b: {  	s6 =	sld [smem:$0x3FAF]  }
0x2c: {  	s7 =	sld [smem:$0x3FB0]  }
0x2d: {  	s3 =	simm.s32 $0x108;
	s8 =	sld [smem:$0x3FB1]  }
0x2e: {  	s3 =	simm.s32 @!p0 $0x1082;
	s9 =	sld [smem:$0x3FB2]  }
0x2f: {  	lr =	sadd.s32 s0, s3;
	s0 =	sld [smem:$0x3FA9]  }
0x30: {  	s3 =	sld [smem:$0x3FAC]  }
0x31: {  	[smem:$0x3FB5] =	sst s10  }
0x32: {  	s10 =	sld [smem:$0x3FB3];
	_ =	sdelay $0x3  }
0x33: {  	p0 =	seq.s32 s10, $0x1;
	s10 =	sld [smem:$0x3FB5];
	_ =	sdelay $0x3  }
0x34: {  	[smem:$0x3FB5] =	sst s10  }
0x35: {  	s10 =	sld [smem:$0x3FB4];
	_ =	sdelay $0x3  }
0x36: {  	p1 =	seq.s32 s10, $0x1;
	s10 =	sld [smem:$0x3FB5];
	_ =	sdelay $0x3  }
0x37: {  	[smem:$0x3FB5] =	sst s10  }
0x38: {  	s10 =	sld [smem:$0x3FB6]  }
0x39: {  	_ = 	snop;
	(pc) =	sbr.ind lr, $3  }
0x3a: {  	_ = 	snop  }
0x3b: {  	_ = 	snop  }
0x3c: {  	p2 =	seq.s32 s10, $0x1;
	s10 =	sld [smem:$0x3FB5]  }
0x3d: {  	_ =	shalt  }
0x3e: {  	_ =	shalt  }
0x3f: {  	_ =	shalt  }
0x40: {  	_ =	shalt  }
0x41: {  	_ =	shalt  }
0x42: {  	_ =	shalt  }
0x43: {  	_ =	shalt  }
0x44: {  	_ =	shalt  }
0x45: {  	_ =	shalt  }
0x46: {  	_ =	shalt  }
0x47: {  	_ =	shalt  }
0x48: {  	_ =	shalt  }
0x49: {  	_ =	shalt  }
0x4a: {  	_ =	shalt  }
0x4b: {  	_ =	shalt  }
0x4c: {  	_ =	shalt  }
0x4d: {  	_ =	shalt  }
0x4e: {  	_ =	shalt  }
0x4f: {  	_ =	shalt  }
0x50: {  	_ =	shalt  }
0x51: {  	_ =	shalt  }
0x52: {  	_ =	shalt  }
0x53: {  	_ =	shalt  }
0x54: {  	_ =	shalt  }
0x55: {  	_ =	shalt  }
0x56: {  	_ =	shalt  }
0x57: {  	_ =	shalt  }
0x58: {  	_ =	shalt  }
0x59: {  	_ =	shalt  }
0x5a: {  	_ =	shalt  }
0x5b: {  	_ =	shalt  }
0x5c: {  	_ =	shalt  }
0x5d: {  	_ =	shalt  }
0x5e: {  	_ =	shalt  }
0x5f: {  	_ =	shalt  }
0x60: {  	_ =	shalt  }
0x61: {  	_ =	shalt  }
0x62: {  	_ =	shalt  }
0x63: {  	_ =	shalt  }
0x64: {  	_ =	shalt  }
0x65: {  	_ =	shalt  }
0x66: {  	_ =	shalt  }
0x67: {  	_ =	shalt  }
0x68: {  	_ =	shalt  }
0x69: {  	_ =	shalt  }
0x6a: {  	_ =	shalt  }
0x6b: {  	_ =	shalt  }
0x6c: {  	_ =	shalt  }
0x6d: {  	_ =	shalt  }
0x6e: {  	_ =	shalt  }
0x6f: {  	_ =	shalt  }
0x70: {  	_ =	shalt  }
0x71: {  	_ =	shalt  }
0x72: {  	_ =	shalt  }
0x73: {  	_ =	shalt  }
0x74: {  	_ =	shalt  }
0x75: {  	_ =	shalt  }
0x76: {  	_ =	shalt  }
0x77: {  	_ =	shalt  }
0x78: {  	_ =	shalt  }
0x79: {  	_ =	shalt  }
0x7a: {  	_ =	shalt  }
0x7b: {  	_ =	shalt  }
0x7c: {  	_ =	shalt  }
0x7d: {  	_ =	shalt  }
0x7e: {  	_ =	shalt  }
0x7f: {  	_ =	shalt  }
0x80: {  	_ =	shalt  }
0x81: {  	_ =	shalt  }
0x82: {  	_ =	shalt  }
0x83: {  	_ =	shalt  }
0x84: {  	_ =	shalt  }
0x85: {  	_ =	shalt  }
0x86: {  	_ =	shalt  }
0x87: {  	_ =	shalt  }
.Lfunc_end0:
.L_simem_size_0:
called_computation_lowered:
.L_overlay_start_0:
0x88: {  	s2 =	sld [smem:$0x3FD9]  }
0x89: {  	s3 =	sld [smem:$0x3FFE];
	_ =	sdelay $0x1  }
0x8a: {  	s1 =	srdreg.scid  }
0x8b: {  	s0 =	sand.u32 $0x1, s1  }
0x8c: {  	s17 =	sshll.u32 s0, $0xA;
	s2 =	sadd.s32 s3, s2  }
0x8d: {  	s2 =	sadd.s32 s2, s17  }
0x8e: {  	[smem:$0x3FC1] =	sst s2  }
0x8f: {  	_ = 	snop  }
0x90: {  	s2 =	sld [smem:$0x3FC9]  }
0x91: {  	s18 =	sld [smem:$0x3FD0];
	(tm) =	ssettm $0x1  }
0x92: {  	s4 =	sld [smem:$0x3FFB];
	_ =	sdelay $0x3  }
0x93: {  	_ =	strace s4  }
0x94: {  	s4 =	sld [smem:$0x3FFC];
	_ =	sdelay $0x3  }
0x95: {  	_ =	strace s4  }
0x96: {  	s4 =	sld [smem:$0x3FFD];
	_ =	sdelay $0x3  }
0x97: {  	_ =	strace s4  }
0x98: {  	_ =	strace $0x8FFFFFFF  }
0x99: {  	s19 =	sld [smem:$0x3FDB];
	_ =	sdelay $0x1  }
0x9a: {  	s5 =	simm.s32 $_scs_section_size  }
0x9b: {  	s6 =	simm.s32 $_size__tile_overlayer_lowered;
	s7 =	simm.s32 $_tile_overlayer_lowered  }
0x9c: {  	s22 =	simm.s32 $0x1BFF;
	s21 =	sshll.u32 s7, $0x1;
	s4 =	sadd.s32 s5, s19  }
0x9d: {  	s8 =	simm.s32 $0x0;
	s20 =	sshll.u32 s6, $0x1;
	s6 =	sadd.s32 s21, s4  }
0x9e: {  	[timem:s8], [sflag:s22] =	dma.local [hbm:s6], s20  }
0x9f: {  	_ =	swait.ge [sflag:s22], s20  }
0xa0: {  	s5 =	ssub.s32 $0x0, s20;
	[sflag:s22] =	ssyncset.done $0x0  }
0xa1: {  	[sflag:s22] =	ssyncadd.s32 s5;
	_ =	sdelay $0x1  }
0xa2: {  	s23 =	simm.s32 $0x1B8B  }
0xa3: {  	_ =	swait.ge [sflag:s23], $0x1  }
0xa4: {  	[sflag:s23] =	ssyncset.done $0x0  }
0xa5: {  	s25 =	simm.s32 $0x1B8E;
	s24 =	sld [smem:$0x3FFE];
	[sflag:s23] =	ssyncadd.s32 $0xFFFFFFFF  }
0xa6: {  	s26 =	simm.s32 $execute0_lowered;
	[smem:$0x3FD2] =	sst s25  }
0xa7: {  	s6 =	sshll.u32 s26, $0x1;
	_ =	strace $0x80000046;
	[dreg:$0x1] =	wrdreg $0xFFFFFFFF  }
0xa8: {  	s28 =	simm.s32 $_size_execute0_lowered;
	s4 =	sadd.s32 s4, s6;
	[dreg:$0x0] =	wrdreg $0x0  }
0xa9: {  	s6 =	sshll.u32 s28, $0x1;
	[dreg:$0x2] =	wrdreg s4  }
0xaa: {  	[dreg:$0x3] =	wrdreg s6  }
0xab: {  	[dreg:$0x4] =	wrdreg $0xC0  }
0xac: {  	_ =	task [dreg:s8], $0x5FFFF  }
0xad: {  	[dreg:$0x1] =	wrdreg $0xFFFFFFFF  }
0xae: {  	[dreg:$0x0] =	wrdreg $0x60  }
0xaf: {  	[dreg:$0x2] =	wrdreg s2  }
0xb0: {  	[dreg:$0x3] =	wrdreg s24  }
0xb1: {  	[dreg:$0x4] =	wrdreg s18  }
0xb2: {  	[dreg:$0x5] =	wrdreg $0x9  }
0xb3: {  	_ =	task.clear_ibuf [dreg:s8], $0x6FFFF;
	_ =	strace $0x90000046  }
0xb4: {  	s29 =	simm.s32 $0x9;
	_ =	strace $0x80000048  }
0xb5: {  	_ =	swait.ge [sflag:s29], $0x1  }
0xb6: {  	[sflag:s29] =	ssyncadd.s32 $0xFFFFFFFF  }
0xb7: {  	_ =	strace $0x90000048  }
0xb8: {  	_ =	sfence  }
0xb9: {  	s30 =	sld [smem:$0x0];
	_ =	sdelay $0x2  }
0xba: {  	s31 =	sshll.u32 s1, $0xD;
	s1 =	sshrl.u32 s1, $0x2  }
0xbb: {  	s3 =	sand.u32 $0x4000, s31;
	s1 =	sadd.s32 s1, s30  }
0xbc: {  	s0 =	sor.u32 s3, s0;
	s1 =	sshll.u32 s1, $0x11  }
0xbd: {  	s0 =	sor.u32 s1, s0  }
0xbe: {  	s0 =	sadd.s32 $0x8F2B, s0  }
0xbf: {  	[sflag:s0] =	ssyncadd.remote.s32 $0x1  }
0xc0: {  	_ =	sfence.sel $0xFFFF  }
0xc1: {  	[dreg:$0x0] =	wrdreg $0xFFFFFFFF;
	(pc) =	sbr.abs _section_cstart, $3  }
0xc2: {  	[dreg:$0x1] =	wrdreg $0xFFFFFFFF  }
0xc3: {  	_ =	task.clear_ibuf [dreg:s8], $0x2FFFF;
	_ =	strace $0x9FFFFFFF  }
0xc4: {  	(tm) =	ssettm $0x7FFFFFFF  }
0xc5: {  	_ =	shalt  }
tec
execute0_lowered:
.L_overlay_start_1:
0x0: {  	(tag) =	ssettag $0x1  }
0x1: {  	s5 =	rddreg [dreg:$0x0]  }
0x2: {  	s4 =	rddreg [dreg:$0x1]  }
0x3: {  	s9 =	rddreg [dreg:$0x2]  }
0x4: {  	s0 =	rddreg [dreg:$0x3];
	s2 =	simm.s32 $0x0;
	s3 =	srdreg.scid  }
0x5: {  	s1 =	stileid.u32;
	s12 =	simm.s32 $0x3;
	s13 =	simm.s32 $0x80E0  }
0x6: {  	s14 =	simm.s32 $0x1;
	s15 =	simm.s32 $0x4000;
	s16 =	simm.s32 $0x2  }
0x7: {  	s17 =	simm.s32 $0x8240;
	s18 =	simm.s32 $0x0;
	[smem:$0x7FF] =	sst s2  }
0x8: {  	s6 =	sand.u32 $0x1, s3;
	s31 =	sshll.u32 s1, $0x1;
	s3 =	sadd.s32 $0x400, s4  }
0x9: {  	s4 =	sadd.s32 $0x600, s4;
	s7 =	sor.u32 s6, s31;
	s6 =	ssub.s32 $0x2, s6  }
0xa: {  	_ =	strace $0x80000047;
	s8 =	sshll.u32 s7, $0xD;
	s10 =	sshrl.u32 s6, $0x1  }
0xb: {  	s11 =	sshll.u32 s7, $0xA;
	s5 =	sadd.s32 s5, s8;
	s10 =	ssub.s32 s6, s10  }
0xc: {  	s9 =	sadd.s32 s9, s11;
	s11 =	simm.s32 $0x8000;
	s6 =	sadd.s32 $0x800, s5  }
0xd: {  	s7 =	sadd.s32 $0x1000, s5;
	s8 =	sadd.s32 $0x1800, s5;
	s10 =	smax.u32 s10, $0x1  }
.LBB2_1:
0xe: {  	[tilespmem:s2], [sflag:$0x1] =	stream.linear.gather [hbm4b:s5+s2], $0x4000, $0x38;
	[tilespmem:$0xA240] =	vst v63  }
0xf: {  	_ = 	snop  }
0x10: {  	[tilespmem:s11], [sflag:$0x3] =	stream.linear.gather [hbm4b:s3+s2], $0xE0, $0x38;
	[tilespmem:$0xA240] =	vst v63  }
0x11: {  	_ =	swait.ge [sflag:s12], $0xE0  }
0x12: {  	[sflag:s12] =	ssyncset.done $0x0  }
0x13: {  	[sflag:s12] =	ssyncadd.s32 $0xFFFFFF20  }
0x14: {  	[tilespmem:s13], [sflag:$0x3] =	stream.linear.gather [hbm4b:s4+s2], $0x160, $0x38;
	[tilespmem:$0xA240] =	vst v63  }
0x15: {  	_ =	swait.ge [sflag:s12], $0x160  }
0x16: {  	[sflag:s12] =	ssyncset.done $0x0  }
0x17: {  	[sflag:s12] =	ssyncadd.s32 $0xFFFFFEA0  }
0x18: {  	v0 =	vld [tilespmem:$0x8230];
	_ =	sdelay $0x4  }
0x19: {  	v1 =	vadd.s32 $0x70, v0;
	_ =	sdelay $0x2  }
0x1a: {  	v2 =	vld.idx.msk [tilespmem:v0+s13+$0x0], $0xffff;
	_ =	sdelay $0x1  }
0x1b: {  	v3 =	vld.idx.msk [tilespmem:v1+s13+$0x0], $0xffff;
	_ =	sdelay $0x2  }
0x1c: {  	v2 =	vadd.s32 v0, v2  }
0x1d: {  	v4 =	vadd.s32 $0x70, v2  }
0x1e: {  	v3 =	vadd.s32 v0, v3  }
0x1f: {  	v5 =	vadd.s32 $0x70, v3  }
0x20: {  	v6 =	vadd.s32 $0xE0, v0  }
0x21: {  	v8 =	vld.idx.msk [tilespmem:v2+s13+$0x0], $0xffff  }
0x22: {  	v4 =	vld.idx.msk [tilespmem:v4+s13+$0x0], $0xffff  }
0x23: {  	v10 =	vld.idx.msk [tilespmem:v3+s13+$0x0], $0xffff  }
0x24: {  	v9 =	vadd.s32 $0xE0, v2;
	v12 =	vld.idx.msk [tilespmem:v5+s13+$0x0], $0xffff  }
0x25: {  	v7 =	vld.idx.msk [tilespmem:v6+s13+$0x0], $0xffff;
	v11 =	vadd.s32 $0xE0, v3  }
0x26: {  	v0 =	vld.idx.msk [tilespmem:v0+s11+$0x0], $0xffff;
	v13 =	vadd.s32 v8, v1  }
0x27: {  	v6 =	vld.idx.msk [tilespmem:v3+s11+$0x0], $0xffff;
	v4 =	vadd.s32 v4, v1  }
0x28: {  	v5 =	vld.idx.msk [tilespmem:v2+s11+$0x0], $0xffff;
	v2 =	vadd.s32 v10, v1  }
0x29: {  	v8 =	vld.idx.msk [tilespmem:v9+s13+$0x0], $0xffff;
	v10 =	vadd.s32 v12, v1  }
0x2a: {  	v9 =	vld.idx.msk [tilespmem:v11+s13+$0x0], $0xffff  }
0x2b: {  	v3 =	vld.idx.msk [tilespmem:v13+s11+$0x0], $0xffff  }
0x2c: {  	v4 =	vld.idx.msk [tilespmem:v4+s11+$0x0], $0xffff  }
0x2d: {  	v1 =	vld.idx.msk [tilespmem:v2+s11+$0x0], $0xffff  }
0x2e: {  	v2 =	vld.idx.msk [tilespmem:v10+s11+$0x0], $0xffff;
	_ =	swait.ge [sflag:s14], $0x4000  }
0x2f: {  	s19 =	simm.s32 $0x80;
	[sflag:s14] =	ssyncset.done $0x0  }
0x30: {  	s20 =	simm.s32 $0x180;
	v11 =	vadd.s32 s19, v8;
	[sflag:s14] =	ssyncadd.s32 $0xFFFFC000  }
0x31: {  	v12 =	vadd.s32 s20, v8;
	[tilespmem:s15], [sflag:$0x2] =	stream.linear.gather [hbm4b:s6+s2], $0x4000, $0x38;
	[tilespmem:$0xA240] =	vst v63  }
0x32: {  	s21 =	simm.s32 $0x100;
	v15 =	vadd.s32 s19, v7;
	v13 =	vld.idx.msk [tilespmem:v7+s2+$0x0], $0xffff  }
0x33: {  	s31 =	simm.s32 $0x380;
	v16 =	vadd.s32 s21, v9;
	v14 =	vld.idx.msk [tilespmem:v9+s2+$0x0], $0xffff  }
0x34: {  	s22 =	simm.s32 $0x300;
	v18 =	vadd.s32 s31, v8;
	v17 =	vld.idx.msk [tilespmem:v8+s2+$0x0], $0xffff  }
0x35: {  	v20 =	vadd.s32 s22, v7;
	v21 =	vld.idx.msk [tilespmem:v11+s2+$0x0], $0xffff  }
0x36: {  	v22 =	vadd.s32 s22, v8;
	v23 =	vld.idx.msk [tilespmem:v12+s2+$0x0], $0xffff  }
0x37: {  	s24 =	simm.s32 $0x200;
	v27 =	vadd.s32 s21, v7;
	v15 =	vld.idx.msk [tilespmem:v15+s2+$0x0], $0xffff  }
0x38: {  	v26 =	vadd.s32 s24, v8;
	v16 =	vld.idx.msk [tilespmem:v16+s2+$0x0], $0xffff  }
0x39: {  	s23 =	simm.s32 $0x280;
	s30 =	simm.s32 $0x780;
	v10 =	vadd.s32 s19, v9;
	v18 =	vld.idx.msk [tilespmem:v18+s2+$0x0], $0xffff  }
0x3a: {  	s29 =	simm.s32 $0x700;
	v25 =	vadd.s32 s23, v7;
	v38 =	vadd.s32 s30, v8;
	v20 =	vld.idx.msk [tilespmem:v20+s2+$0x0], $0xffff  }
0x3b: {  	v32 =	vadd.s32 s31, v7;
	v33 =	vadd.s32 s20, v7;
	v37 =	vadd.s32 s29, v8;
	v22 =	vld.idx.msk [tilespmem:v22+s2+$0x0], $0xffff  }
0x3c: {  	s25 =	simm.s32 $0x580;
	v34 =	vadd.s32 s24, v7;
	v40 =	vadd.s32 s30, v7;
	v24 =	vadd.s32 s20, v9;
	v27 =	vld.idx.msk [tilespmem:v27+s2+$0x0], $0xffff  }
0x3d: {  	v42 =	vadd.s32 s25, v7;
	v28 =	vadd.s32 s24, v9;
	v29 =	vadd.s32 s23, v9;
	v26 =	vld.idx.msk [tilespmem:v26+s2+$0x0], $0xffff  }
0x3e: {  	s26 =	simm.s32 $0x600;
	s28 =	simm.s32 $0x680;
	v30 =	vadd.s32 s21, v8;
	v31 =	vadd.s32 s31, v9;
	v57 =	vadd.s32 s25, v8;
	v19 =	vld.idx.msk [tilespmem:v10+s2+$0x0], $0xffff  }
0x3f: {  	v58 =	vadd.s32 s26, v8;
	v59 =	vadd.s32 s26, v9;
	v36 =	vadd.s32 s28, v9;
	v38 =	vld.idx.msk [tilespmem:v38+s2+$0x0], $0xffff  }
0x40: {  	v39 =	vadd.s32 s30, v9;
	v11 =	vadd.s32 $0x400, v8;
	v12 =	vadd.s32 $0x400, v9;
	v60 =	vld.idx.msk [tilespmem:v37+s2+$0x0], $0xffff  }
0x41: {  	v10 =	vadd.s32 $0x400, v7;
	vm0 =	vge.f32 v13, v0;
	vm1 =	vge.f32 v14, v6;
	v13 =	vld.idx.msk [tilespmem:v24+s2+$0x0], $0xffff  }
0x42: {  	v14 =	vadd.s32 s22, v9;
	vm2 =	vge.f32 v17, v5;
	vm3 =	vge.f32 v21, v5;
	v17 =	vld.idx.msk [tilespmem:v25+s2+$0x0], $0xffff  }
0x43: {  	vm6 =	vge.f32 v26, v5;
	v21 =	vsel vm2, v4, v3;
	vm2 =	vge.f32 v19, v6;
	v19 =	vld.idx.msk [tilespmem:v30+s2+$0x0], $0xffff  }
0x44: {  	v26 =	vadd.s32 s29, v7;
	v25 =	vsel vm3, v4, v3;
	vm3 =	vge.f32 v18, v5;
	v18 =	vld.idx.msk [tilespmem:v29+s2+$0x0], $0xffff  }
0x45: {  	v24 =	vsel vm1, v2, v1;
	vm1 =	vge.f32 v15, v0;
	v15 =	vadd.s32 s23, v8;
	v29 =	vld.idx.msk [tilespmem:v34+s2+$0x0], $0xffff  }
0x46: {  	v30 =	vadd.s32 s2, v11;
	v34 =	vld.idx.msk [tilespmem:v57+s2+$0x0], $0xffff;
	v35 =	vsel vm2, v2, v1;
	v21 =	vsel vm0, v24, v21  }
0x47: {  	s23 =	simm.s32 $0x500;
	v24 =	vld.idx.msk [tilespmem:v28+s2+$0x0], $0xffff;
	vm0 =	vge.f32 v16, v6;
	vm2 =	vge.f32 v22, v5;
	v22 =	vadd.s32 s2, v12  }
0x48: {  	v16 =	vld.idx.msk [tilespmem:v33+s2+$0x0], $0xffff;
	v43 =	vadd.s32 s23, v7;
	v25 =	vsel vm1, v35, v25;
	v28 =	vsel vm0, v2, v1  }
0x49: {  	s19 =	simm.s32 $0x8280;
	vm0 =	vge.f32 v23, v5;
	v23 =	vld.idx.msk [tilespmem:v31+s2+$0x0], $0xffff;
	v31 =	vadd.s32 s2, v10;
	vm1 =	vge.f32 v27, v0  }
0x4a: {  	[tilespmem:s19+$0xFFFFFFC0] =	vst v21;
	v21 =	vadd.s32 s28, v7;
	v55 =	vsel vm0, v4, v3;
	vm0 =	vge.f32 v20, v0;
	v56 =	vld.idx.msk [tilespmem:v14+s2+$0x0], $0xffff  }
0x4b: {  	s22 =	simm.s32 $0x480;
	v20 =	vsel vm3, v4, v3;
	vm4 =	vge.f32 v13, v6;
	v13 =	vsel vm2, v4, v3;
	v44 =	vld.idx.msk [tilespmem:v26+s2+$0x0], $0xffff  }
0x4c: {  	vm2 =	vge.f32 v17, v0;
	v17 =	vadd.s32 s22, v8;
	vm3 =	vge.f32 v19, v5;
	v19 =	vld.idx.msk [tilespmem:v32+s2+$0x0], $0xffff  }
0x4d: {  	v27 =	vsel vm4, v2, v1;
	v30 =	vld.idx.msk [tilespmem:v30+s2+$0x0], $0xffff;
	vm4 =	vge.f32 v24, v6;
	v24 =	vadd.s32 s22, v9  }
0x4e: {  	v14 =	vadd.s32 s26, v7;
	vm5 =	vge.f32 v16, v0;
	v16 =	vadd.s32 s23, v9;
	v22 =	vld.idx.msk [tilespmem:v22+s2+$0x0], $0xffff  }
0x4f: {  	s31 =	simm.s32 $0x400;
	v15 =	vld.idx.msk [tilespmem:v15+s2+$0x0], $0xffff;
	v27 =	vsel vm5, v27, v55;
	vm5 =	vge.f32 v23, v6;
	v23 =	vadd.s32 s22, v7  }
0x50: {  	vm9 =	vge.f32 v18, v6;
	v18 =	vadd.s32 s28, v8;
	v32 =	vadd.s32 s31, v10;
	v31 =	vld.idx.msk [tilespmem:v31+s2+$0x0], $0xffff  }
0x51: {  	v61 =	vsel vm9, v2, v1;
	v41 =	vsel vm5, v2, v1;
	vm5 =	vge.f32 v29, v0;
	v17 =	vld.idx.msk [tilespmem:v17+s2+$0x0], $0xffff  }
0x52: {  	v29 =	vsel vm4, v2, v1;
	vm13 =	vge.f32 v56, v6;
	vm12 =	vge.f32 v19, v0;
	v24 =	vld.idx.msk [tilespmem:v24+s2+$0x0], $0xffff  }
0x53: {  	[tilespmem:s19+$0xFFFFFFF0] =	vst v27;
	vm8 =	vge.f32 v30, v5;
	v19 =	vadd.s32 s23, v8;
	vm7 =	vge.f32 v22, v6;
	v27 =	vld.idx.msk [tilespmem:v16+s2+$0x0], $0xffff  }
0x54: {  	v22 =	vsel vm6, v4, v3;
	v30 =	vsel vm8, v4, v3;
	v20 =	vsel vm12, v41, v20;
	v23 =	vld.idx.msk [tilespmem:v23+s2+$0x0], $0xffff  }
0x55: {  	[tilespmem:s19+$0xFFFFFFD0] =	vst v25;
	vm4 =	vge.f32 v31, v0;
	v31 =	vadd.s32 s25, v9;
	v29 =	vsel vm5, v29, v22;
	v22 =	vld.idx.msk [tilespmem:v21+s2+$0x0], $0xffff  }
0x56: {  	v16 =	vadd.s32 s29, v9;
	v26 =	vsel vm7, v2, v1;
	vm5 =	vge.f32 v15, v5;
	[tilespmem:s19+$0x30] =	vst v20;
	v20 =	vld.idx.msk [tilespmem:v43+s2+$0x0], $0xffff  }
0x57: {  	v21 =	vadd.s32 s31, v11;
	v15 =	vsel vm5, v4, v3;
	[tilespmem:s19+$0x0] =	vst v29;
	v29 =	vld.idx.msk [tilespmem:v42+s2+$0x0], $0xffff;
	vm14 =	vge.f32 v17, v5  }
0x58: {  	v15 =	vsel vm2, v61, v15;
	vm2 =	vge.f32 v38, v5;
	v17 =	vsel vm14, v4, v3;
	v63 =	vld.idx.msk [tilespmem:v19+s2+$0x0], $0xffff  }
0x59: {  	[tilespmem:s19+$0x10] =	vst v15;
	vm5 =	vge.f32 v24, v6;
	v24 =	vsel vm13, v2, v1;
	vm15 =	vge.f32 v23, v0  }
0x5a: {  	v62 =	vld.idx.msk [tilespmem:v31+s2+$0x0], $0xffff;
	v23 =	vsel vm3, v4, v3;
	v31 =	vsel vm5, v2, v1;
	v19 =	vsel vm0, v24, v13  }
0x5b: {  	vm0 =	vge.f32 v34, v5;
	v25 =	vsel vm1, v28, v23;
	v23 =	vsel vm4, v26, v30;
	v30 =	vld.idx.msk [tilespmem:v59+s2+$0x0], $0xffff  }
0x5c: {  	v24 =	vld.idx.msk [tilespmem:v40+s2+$0x0], $0xffff;
	v17 =	vsel vm15, v31, v17;
	vm1 =	vge.f32 v27, v6;
	vm4 =	vge.f32 v60, v5  }
0x5d: {  	v28 =	vadd.s32 s31, v12;
	v27 =	vld.idx.msk [tilespmem:v39+s2+$0x0], $0xffff;
	[tilespmem:s19+$0x20] =	vst v19;
	v31 =	vsel vm0, v4, v3;
	vm0 =	vge.f32 v44, v0  }
0x5e: {  	s20 =	simm.s32 $0x8300;
	v26 =	vld.idx.msk [tilespmem:v58+s2+$0x0], $0xffff;
	v19 =	vsel vm2, v4, v3;
	v13 =	vsel vm1, v2, v1;
	vm1 =	vge.f32 v20, v0  }
0x5f: {  	s21 =	simm.s32 $0x8;
	s22 =	simm.s32 $0x800;
	s23 =	simm.s32 $0x8380;
	v20 =	vld.idx.msk [tilespmem:v36+s2+$0x0], $0xffff;
	v15 =	vsel vm4, v4, v3;
	vm2 =	vge.f32 v63, v5;
	vm3 =	vge.f32 v62, v6  }
.LBB2_2:
0x60: {  	s26 =	sadd.s32 $0x80, s22;
	s25 =	sadd.s32 $0x100, s22;
	s21 =	sadd.s32 $0x8, s21;
	v33 =	vsel vm3, v2, v1;
	v34 =	vld.idx.msk [tilespmem:v14+s2+$0x0], $0xffff;
	vm4 =	vge.f32 v30, v6;
	vm3 =	vge.f32 v22, v0  }
0x61: {  	s28 =	sadd.s32 $0x180, s22;
	vm5 =	vge.f32 v29, v0;
	v14 =	vadd.s32 s26, v8;
	v22 =	vadd.s32 s26, v9;
	p0 =	slt.u32 s21, $0x78;
	v29 =	vld.idx.msk [tilespmem:v16+s2+$0x0], $0xffff;
	[tilespmem:s19+$0xFFFFFFE0] =	vst v25;
	s19 =	smov.u32 s20  }
0x62: {  	s29 =	sadd.s32 $0x200, s22;
	s24 =	sadd.s32 $0x280, s22;
	v16 =	vadd.s32 s25, v9;
	v25 =	vadd.s32 s28, v8;
	s20 =	smov.u32 s23;
	[tilespmem:s19+$0xFFFFFFC0] =	vst v23;
	v23 =	vsel vm5, v33, v31;
	v18 =	vld.idx.msk [tilespmem:v18+s2+$0x0], $0xffff  }
0x63: {  	s30 =	sadd.s32 $0x300, s22;
	v33 =	vadd.s32 s29, v8;
	v31 =	vadd.s32 s29, v9;
	vm5 =	vge.f32 v27, v6;
	v30 =	vld.idx.msk [tilespmem:v32+s2+$0x0], $0xffff;
	[tilespmem:s19+$0xFFFFFFF0] =	vst v23  }
0x64: {  	v35 =	vadd.s32 s24, v9;
	v27 =	vadd.s32 s26, v7;
	s26 =	sadd.s32 $0x380, s22;
	v23 =	vld.idx.msk [tilespmem:v28+s2+$0x0], $0xffff;
	v28 =	vadd.s32 s30, v8  }
0x65: {  	vm6 =	vge.f32 v26, v5;
	v32 =	vadd.s32 s26, v8;
	v36 =	vadd.s32 s26, v9;
	v21 =	vld.idx.msk [tilespmem:v21+s2+$0x0], $0xffff;
	[tilespmem:s19+$0xFFFFFFD0] =	vst v17  }
0x66: {  	v37 =	vadd.s32 s26, v7;
	v26 =	vsel vm5, v2, v1;
	v17 =	vld.idx.msk [tilespmem:v22+s2+$0x0], $0xffff;
	v22 =	vadd.s32 s30, v7  }
0x67: {  	v39 =	vadd.s32 s28, v7;
	v40 =	vsel vm4, v2, v1;
	v38 =	vld.idx.msk [tilespmem:v14+s2+$0x0], $0xffff;
	v14 =	vadd.s32 s29, v7  }
0x68: {  	v42 =	vadd.s32 s24, v7;
	vm5 =	vge.f32 v34, v0;
	v41 =	vld.idx.msk [tilespmem:v25+s2+$0x0], $0xffff;
	v25 =	vadd.s32 s28, v9  }
0x69: {  	v34 =	vsel vm6, v4, v3;
	vm4 =	vge.f32 v30, v0;
	v30 =	vadd.s32 s25, v7;
	v27 =	vld.idx.msk [tilespmem:v27+s2+$0x0], $0xffff  }
0x6a: {  	vm7 =	vge.f32 v24, v0;
	vm6 =	vge.f32 v23, v6;
	v43 =	vld.idx.msk [tilespmem:v16+s2+$0x0], $0xffff;
	v16 =	vadd.s32 s30, v9  }
0x6b: {  	vm9 =	vge.f32 v20, v6;
	v23 =	vadd.s32 s25, v8;
	vm8 =	vge.f32 v21, v5;
	v24 =	vld.idx.msk [tilespmem:v32+s2+$0x0], $0xffff  }
0x6c: {  	v19 =	vsel vm7, v26, v19;
	v20 =	vsel vm8, v4, v3;
	vm8 =	vge.f32 v29, v6;
	v44 =	vld.idx.msk [tilespmem:v22+s2+$0x0], $0xffff  }
0x6d: {  	v26 =	vsel vm6, v2, v1;
	v29 =	vsel vm9, v2, v1;
	vm6 =	vge.f32 v38, v5;
	v28 =	vld.idx.msk [tilespmem:v28+s2+$0x0], $0xffff  }
0x6e: {  	v34 =	vsel vm5, v40, v34;
	vm5 =	vge.f32 v18, v5;
	v32 =	vsel vm6, v4, v3;
	v38 =	vld.idx.msk [tilespmem:v25+s2+$0x0], $0xffff  }
0x6f: {  	v18 =	vadd.s32 s24, v8;
	vm6 =	vge.f32 v27, v0;
	v27 =	vsel vm5, v4, v3;
	v22 =	vld.idx.msk [tilespmem:v42+s2+$0x0], $0xffff;
	[tilespmem:s19+$0x30] =	vst v19  }
0x70: {  	v40 =	vsel vm8, v2, v1;
	vm5 =	vge.f32 v17, v6;
	v17 =	vsel vm2, v4, v3;
	v19 =	vld.idx.msk [tilespmem:v30+s2+$0x0], $0xffff  }
0x71: {  	v21 =	vadd.s32 s22, v11;
	v25 =	vsel vm1, v13, v17;
	v30 =	vsel vm5, v2, v1;
	v42 =	vld.idx.msk [tilespmem:v23+s2+$0x0], $0xffff;
	[tilespmem:s19+$0x0] =	vst v34  }
0x72: {  	v23 =	vsel vm4, v26, v20;
	v17 =	vsel vm6, v30, v32;
	v20 =	vsel vm3, v29, v27;
	v30 =	vld.idx.msk [tilespmem:v31+s2+$0x0], $0xffff  }
.Ltmp0:
0x73: {  	v15 =	vsel vm0, v40, v15;
	vm1 =	vge.f32 v43, v6;
	vm4 =	vge.f32 v28, v5;
	v29 =	vld.idx.msk [tilespmem:v39+s2+$0x0], $0xffff;
	(pc) =	sbr.rel @p0 .LBB2_2-.Ltmp0, $4  }
0x74: {  	vm0 =	vge.f32 v41, v5;
	v13 =	vsel vm1, v2, v1;
	v28 =	vadd.s32 s22, v12;
	v27 =	vld.idx.msk [tilespmem:v36+s2+$0x0], $0xffff;
	[tilespmem:s19+$0x20] =	vst v15  }
0x75: {  	vm2 =	vge.f32 v24, v5;
	v32 =	vadd.s32 s22, v10;
	v31 =	vsel vm0, v4, v3;
	v26 =	vld.idx.msk [tilespmem:v33+s2+$0x0], $0xffff;
	[tilespmem:s19+$0x10] =	vst v20  }
0x76: {  	vm0 =	vge.f32 v44, v0;
	vm1 =	vge.f32 v19, v0;
	v19 =	vsel vm2, v4, v3;
	v20 =	vld.idx.msk [tilespmem:v35+s2+$0x0], $0xffff  }
0x77: {  	s23 =	sadd.s32 $0x80, s23;
	s22 =	sadd.s32 $0x400, s22;
	vm3 =	vge.f32 v38, v6;
	v15 =	vsel vm4, v4, v3;
	vm2 =	vge.f32 v42, v5;
	v24 =	vld.idx.msk [tilespmem:v37+s2+$0x0], $0xffff  }
0x78: {  	_ =	sdelay $0x3  }
0x79: {  	v10 =	vld.idx.msk [tilespmem:v14+s2+$0x0], $0xffff  }
0x7a: {  	v11 =	vld.idx.msk [tilespmem:v16+s2+$0x0], $0xffff  }
0x7b: {  	v12 =	vsel vm3, v2, v1;
	vm3 =	vge.f32 v30, v6;
	vm4 =	vge.f32 v29, v0;
	v14 =	vld.idx.msk [tilespmem:v18+s2+$0x0], $0xffff  }
0x7c: {  	vm5 =	vge.f32 v22, v0;
	[tilespmem:s19+$0xFFFFFFE0] =	vst v25;
	v12 =	vsel vm4, v12, v31;
	vm9 =	vge.f32 v27, v6  }
0x7d: {  	[tilespmem:s20+$0xFFFFFFC0] =	vst v23;
	v18 =	vsel vm3, v2, v1;
	vm6 =	vge.f32 v26, v5;
	v16 =	vsel vm9, v2, v1  }
0x7e: {  	[tilespmem:s20+$0xFFFFFFD0] =	vst v17;
	vm11 =	vge.f32 v20, v6;
	vm10 =	vge.f32 v24, v0;
	vm3 =	vge.f32 v10, v0  }
0x7f: {  	[tilespmem:s20+$0xFFFFFFF0] =	vst v12;
	v10 =	vsel vm6, v4, v3;
	vm7 =	vge.f32 v11, v6;
	v11 =	vsel vm10, v16, v19  }
0x80: {  	v10 =	vsel vm3, v18, v10;
	vm3 =	vge.f32 v14, v5;
	[tilespmem:s20+$0x30] =	vst v11;
	v11 =	vsel vm7, v2, v1  }
0x81: {  	v12 =	vsel vm11, v2, v1;
	v14 =	vsel vm3, v4, v3;
	[tilespmem:s20+$0x0] =	vst v10;
	v10 =	vsel vm0, v11, v15  }
0x82: {  	v11 =	vsel vm2, v4, v3;
	v12 =	vsel vm5, v12, v14;
	[tilespmem:s20+$0x20] =	vst v10  }
0x83: {  	s28 =	simm.s32 $0x0;
	v10 =	vsel vm1, v13, v11;
	[tilespmem:s20+$0x10] =	vst v12  }
0x84: {  	s29 =	simm.s32 $0x380;
	[tilespmem:s20+$0xFFFFFFE0] =	vst v10;
	v10 =	vadd.s32 s28, v8  }
0x85: {  	v11 =	vadd.s32 s29, v8;
	_ =	swait.ge [sflag:s16], $0x4000  }
0x86: {  	v12 =	vadd.s32 s29, v9;
	[sflag:s16] =	ssyncset.done $0x0  }
0x87: {  	s21 =	simm.s32 $0x80;
	v13 =	vadd.s32 s29, v7;
	[sflag:s16] =	ssyncadd.s32 $0xFFFFC000  }
0x88: {  	v14 =	vadd.s32 s21, v8;
	[tilespmem:s28], [sflag:$0x1] =	stream.linear.gather [hbm4b:s7+s28], $0x4000, $0x38;
	[tilespmem:$0xA240] =	vst v63  }
0x89: {  	s30 =	simm.s32 $0x100;
	v15 =	vadd.s32 s21, v9;
	v10 =	vld.idx.msk [tilespmem:v10+s15+$0x0], $0xffff  }
0x8a: {  	v16 =	vadd.s32 s30, v8;
	v11 =	vld.idx.msk [tilespmem:v11+s15+$0x0], $0xffff  }
0x8b: {  	s22 =	simm.s32 $0x180;
	v17 =	vadd.s32 s30, v9;
	v12 =	vld.idx.msk [tilespmem:v12+s15+$0x0], $0xffff  }
0x8c: {  	v18 =	vadd.s32 s22, v8;
	v13 =	vld.idx.msk [tilespmem:v13+s15+$0x0], $0xffff  }
0x8d: {  	s23 =	simm.s32 $0x200;
	v19 =	vadd.s32 s22, v9;
	v14 =	vld.idx.msk [tilespmem:v14+s15+$0x0], $0xffff  }
0x8e: {  	s24 =	simm.s32 $0x280;
	v20 =	vadd.s32 s23, v8;
	v15 =	vld.idx.msk [tilespmem:v15+s15+$0x0], $0xffff  }
0x8f: {  	s26 =	simm.s32 $0x780;
	v32 =	vadd.s32 s24, v7;
	v16 =	vld.idx.msk [tilespmem:v16+s15+$0x0], $0xffff  }
0x90: {  	v36 =	vadd.s32 s26, v9;
	v17 =	vld.idx.msk [tilespmem:v17+s15+$0x0], $0xffff  }
0x91: {  	s31 =	simm.s32 $0x300;
	v39 =	vadd.s32 s26, v7;
	v18 =	vld.idx.msk [tilespmem:v18+s15+$0x0], $0xffff  }
0x92: {  	v33 =	vadd.s32 s31, v7;
	v19 =	vld.idx.msk [tilespmem:v19+s15+$0x0], $0xffff  }
0x93: {  	v21 =	vadd.s32 s23, v9;
	v22 =	vadd.s32 s28, v7;
	v29 =	vadd.s32 s30, v7;
	s30 =	simm.s32 $0x680;
	v20 =	vld.idx.msk [tilespmem:v20+s15+$0x0], $0xffff  }
0x94: {  	v23 =	vadd.s32 s28, v9;
	v25 =	vadd.s32 s24, v9;
	v46 =	vadd.s32 s30, v9;
	v32 =	vld.idx.msk [tilespmem:v32+s15+$0x0], $0xffff  }
0x95: {  	s25 =	simm.s32 $0x400;
	v27 =	vadd.s32 s31, v9;
	v28 =	vadd.s32 s21, v7;
	v30 =	vadd.s32 s22, v7;
	v36 =	vld.idx.msk [tilespmem:v36+s15+$0x0], $0xffff  }
0x96: {  	v31 =	vadd.s32 s23, v7;
	v35 =	vadd.s32 s25, v9;
	v26 =	vadd.s32 s31, v8;
	s31 =	simm.s32 $0x700;
	s28 =	simm.s32 $0x480;
	v39 =	vld.idx.msk [tilespmem:v39+s15+$0x0], $0xffff  }
0x97: {  	v47 =	vadd.s32 s31, v8;
	v48 =	vadd.s32 s31, v9;
	s29 =	simm.s32 $0x500;
	v37 =	vadd.s32 s28, v9;
	v33 =	vld.idx.msk [tilespmem:v33+s15+$0x0], $0xffff  }
0x98: {  	v24 =	vadd.s32 s24, v8;
	v45 =	vadd.s32 s30, v8;
	v38 =	vadd.s32 s29, v8;
	v22 =	vld.idx.msk [tilespmem:v22+s15+$0x0], $0xffff  }
0x99: {  	v40 =	vadd.s32 s29, v9;
	v50 =	vadd.s32 s29, v7;
	v34 =	vadd.s32 s28, v8;
	v63 =	vld.idx.msk [tilespmem:v46+s15+$0x0], $0xffff  }
0x9a: {  	v49 =	vadd.s32 s28, v7;
	vm0 =	vge.f32 v10, v5;
	vm1 =	vge.f32 v11, v5;
	v10 =	vld.idx.msk [tilespmem:v21+s15+$0x0], $0xffff  }
0x9b: {  	vm2 =	vge.f32 v12, v6;
	v21 =	vld.idx.msk [tilespmem:v29+s15+$0x0], $0xffff;
	vm8 =	vge.f32 v36, v6;
	vm14 =	vge.f32 v39, v0  }
0x9c: {  	v57 =	vld.idx.msk [tilespmem:v37+s15+$0x0], $0xffff;
	v11 =	vsel vm1, v4, v3;
	v12 =	vsel vm2, v2, v1;
	vm1 =	vge.f32 v13, v0  }
0x9d: {  	v13 =	vld.idx.msk [tilespmem:v24+s15+$0x0], $0xffff;
	v24 =	vsel vm0, v4, v3;
	vm0 =	vge.f32 v14, v5;
	v11 =	vsel vm1, v12, v11  }
0x9e: {  	v12 =	vld.idx.msk [tilespmem:v25+s15+$0x0], $0xffff;
	v14 =	vsel vm0, v4, v3;
	vm0 =	vge.f32 v15, v6;
	vm1 =	vge.f32 v16, v5  }
0x9f: {  	v15 =	vld.idx.msk [tilespmem:v26+s15+$0x0], $0xffff;
	v16 =	vsel vm0, v2, v1;
	v25 =	vsel vm1, v4, v3;
	vm0 =	vge.f32 v17, v6  }
0xa0: {  	v17 =	vld.idx.msk [tilespmem:v27+s15+$0x0], $0xffff;
	vm1 =	vge.f32 v19, v6;
	v26 =	vsel vm0, v2, v1;
	vm0 =	vge.f32 v18, v5  }
0xa1: {  	v18 =	vld.idx.msk [tilespmem:v23+s15+$0x0], $0xffff;
	v23 =	vsel vm1, v2, v1;
	v19 =	vsel vm0, v4, v3;
	vm0 =	vge.f32 v20, v5  }
0xa2: {  	v20 =	vld.idx.msk [tilespmem:v28+s15+$0x0], $0xffff;
	vm5 =	vge.f32 v21, v0;
	v27 =	vsel vm0, v4, v3;
	vm0 =	vge.f32 v10, v6  }
0xa3: {  	vm1 =	vge.f32 v13, v5;
	v13 =	vld.idx.msk [tilespmem:v30+s15+$0x0], $0xffff;
	v30 =	vadd.s32 s25, v8;
	v10 =	vadd.s32 s25, v7  }
0xa4: {  	s25 =	simm.s32 $0x580;
	v62 =	vsel vm5, v26, v25;
	v25 =	vld.idx.msk [tilespmem:v48+s15+$0x0], $0xffff;
	v28 =	vsel vm0, v2, v1;
	v29 =	vsel vm1, v4, v3  }
0xa5: {  	vm0 =	vge.f32 v12, v6;
	v12 =	vld.idx.msk [tilespmem:v31+s15+$0x0], $0xffff;
	v31 =	vadd.s32 s26, v8;
	v41 =	vadd.s32 s25, v8  }
0xa6: {  	v26 =	vld.idx.msk [tilespmem:v49+s15+$0x0], $0xffff;
	s26 =	simm.s32 $0x600;
	v42 =	vadd.s32 s25, v9;
	v51 =	vadd.s32 s25, v7;
	vm2 =	vge.f32 v15, v5  }
0xa7: {  	v15 =	vld.idx.msk [tilespmem:v34+s15+$0x0], $0xffff;
	v43 =	vadd.s32 s26, v8;
	v44 =	vadd.s32 s26, v9;
	vm3 =	vge.f32 v17, v6  }
0xa8: {  	v17 =	vsel vm0, v2, v1;
	v21 =	vadd.s32 s26, v7;
	vm1 =	vge.f32 v18, v6;
	v30 =	vld.idx.msk [tilespmem:v30+s15+$0x0], $0xffff  }
0xa9: {  	v18 =	vsel vm2, v4, v3;
	v52 =	vsel vm3, v2, v1;
	vm12 =	vge.f32 v20, v0;
	v20 =	vld.idx.msk [tilespmem:v38+s15+$0x0], $0xffff  }
0xaa: {  	vm2 =	vge.f32 v32, v0;
	v58 =	vsel vm1, v2, v1;
	vm1 =	vge.f32 v22, v0;
	v31 =	vld.idx.msk [tilespmem:v31+s15+$0x0], $0xffff  }
0xab: {  	s19 =	simm.s32 $0x8AB0;
	vm6 =	vge.f32 v13, v0;
	v13 =	vsel vm8, v2, v1;
	v60 =	vsel vm12, v16, v14;
	v22 =	vld.idx.msk [tilespmem:v42+s15+$0x0], $0xffff  }
0xac: {  	[tilespmem:s19+$0x0] =	vst v11;
	vm12 =	vge.f32 v57, v6;
	v32 =	vsel vm1, v58, v24;
	v24 =	vadd.s32 s30, v7;
	v59 =	vld.idx.msk [tilespmem:v41+s15+$0x0], $0xffff  }
0xad: {  	vm3 =	vge.f32 v12, v0;
	vm15 =	vge.f32 v15, v5;
	v61 =	vld.idx.msk [tilespmem:v44+s15+$0x0], $0xffff;
	vm0 =	vge.f32 v30, v5  }
0xae: {  	v14 =	vsel vm12, v2, v1;
	v34 =	vsel vm6, v23, v19;
	v30 =	vld.idx.msk [tilespmem:v40+s15+$0x0], $0xffff;
	v11 =	vsel vm0, v4, v3  }
0xaf: {  	vm0 =	vge.f32 v33, v0;
	vm13 =	vge.f32 v31, v5;
	v31 =	vld.idx.msk [tilespmem:v43+s15+$0x0], $0xffff;
	v33 =	vsel vm3, v28, v27  }
0xb0: {  	vm3 =	vge.f32 v22, v6;
	v12 =	vsel vm13, v4, v3;
	vm13 =	vge.f32 v20, v5;
	v20 =	vld.idx.msk [tilespmem:v45+s15+$0x0], $0xffff  }
0xb1: {  	s20 =	simm.s32 $0x8B30;
	[tilespmem:s19+$0xFFFFFFB0] =	vst v62;
	v13 =	vsel vm14, v13, v12;
	v12 =	vsel vm15, v4, v3;
	vm15 =	vge.f32 v59, v5  }
0xb2: {  	v23 =	vld.idx.msk [tilespmem:v47+s15+$0x0], $0xffff;
	v22 =	vadd.s32 s31, v7;
	[tilespmem:s20+$0x0] =	vst v13;
	v13 =	vsel vm13, v4, v3;
	v16 =	vsel vm15, v4, v3  }
0xb3: {  	[tilespmem:s19+$0xFFFFFFA0] =	vst v60;
	vm14 =	vge.f32 v30, v6;
	v30 =	vsel vm2, v17, v29;
	v17 =	vsel vm3, v2, v1  }
0xb4: {  	v27 =	vld.idx.msk [tilespmem:v35+s15+$0x0], $0xffff;
	vm2 =	vge.f32 v31, v5;
	v31 =	vsel vm0, v52, v18;
	vm0 =	vge.f32 v61, v6  }
0xb5: {  	v28 =	vld.idx.msk [tilespmem:v50+s15+$0x0], $0xffff;
	v15 =	vsel vm14, v2, v1;
	v19 =	vsel vm0, v2, v1;
	vm0 =	vge.f32 v20, v5  }
0xb6: {  	s22 =	simm.s32 $0x800;
	s21 =	simm.s32 $0x8;
	v29 =	vld.idx.msk [tilespmem:v51+s15+$0x0], $0xffff;
	v18 =	vsel vm2, v4, v3;
	v20 =	vsel vm0, v4, v3;
	vm0 =	vge.f32 v63, v6  }
.LBB2_4:
0xb7: {  	v35 =	vadd.s32 s22, v7;
	v36 =	vadd.s32 s22, v8;
	v37 =	vadd.s32 s22, v9;
	s23 =	sadd.s32 $0x80, s22;
	s24 =	sadd.s32 $0x100, s22;
	s25 =	sadd.s32 $0x380, s22;
	v38 =	vld.idx.msk [tilespmem:v21+s15+$0x0], $0xffff;
	[tilespmem:s19+$0xFFFFFFC0] =	vst v34  }
0xb8: {  	s26 =	sadd.s32 $0x180, s22;
	s28 =	sadd.s32 $0x200, s22;
	s21 =	sadd.s32 $0x8, s21;
	v34 =	vadd.s32 s23, v8;
	v39 =	vadd.s32 s23, v9;
	v21 =	vadd.s32 s25, v8;
	v40 =	vld.idx.msk [tilespmem:v24+s15+$0x0], $0xffff;
	[tilespmem:s19+$0xFFFFFFD0] =	vst v33  }
0xb9: {  	s29 =	sadd.s32 $0x280, s22;
	s30 =	sadd.s32 $0x300, s22;
	v33 =	vadd.s32 s24, v8;
	v41 =	vadd.s32 s24, v9;
	v42 =	vadd.s32 s25, v9;
	p0 =	slt.u32 s21, $0x78;
	v43 =	vld.idx.msk [tilespmem:v22+s15+$0x0], $0xffff;
	[tilespmem:s19+$0xFFFFFFE0] =	vst v30  }
0xba: {  	v44 =	vadd.s32 s26, v9;
	v45 =	vadd.s32 s25, v7;
	v30 =	vadd.s32 s26, v8;
	v46 =	vld.idx.msk [tilespmem:v10+s15+$0x0], $0xffff;
	[tilespmem:s19+$0xFFFFFFF0] =	vst v31;
	v10 =	vmovc v35  }
0xbb: {  	v47 =	vadd.s32 s29, v8;
	v31 =	vadd.s32 s28, v8;
	v35 =	vadd.s32 s28, v9;
	[tilespmem:s19+$0xFFFFFF90] =	vst v32;
	s19 =	smov.u32 s20  }
0xbc: {  	v48 =	vadd.s32 s30, v8;
	v49 =	vadd.s32 s30, v9;
	v32 =	vld.idx.msk [tilespmem:v36+s15+$0x0], $0xffff;
	v36 =	vadd.s32 s29, v9  }
0xbd: {  	v50 =	vadd.s32 s23, v7;
	v51 =	vadd.s32 s24, v7;
	v52 =	vadd.s32 s26, v7;
	v53 =	vld.idx.msk [tilespmem:v21+s15+$0x0], $0xffff  }
0xbe: {  	v24 =	vadd.s32 s29, v7;
	v22 =	vadd.s32 s30, v7;
	v21 =	vadd.s32 s28, v7;
	v42 =	vld.idx.msk [tilespmem:v42+s15+$0x0], $0xffff  }
0xbf: {  	vm2 =	vge.f32 v23, v5;
	vm3 =	vge.f32 v25, v6;
	vm1 =	vge.f32 v27, v6;
	v45 =	vld.idx.msk [tilespmem:v45+s15+$0x0], $0xffff  }
0xc0: {  	v27 =	vsel vm0, v2, v1;
	v54 =	vsel vm2, v4, v3;
	v55 =	vsel vm3, v2, v1;
	v23 =	vld.idx.msk [tilespmem:v34+s15+$0x0], $0xffff  }
0xc1: {  	vm6 =	vge.f32 v26, v0;
	vm5 =	vge.f32 v28, v0;
	v25 =	vld.idx.msk [tilespmem:v39+s15+$0x0], $0xffff;
	v39 =	vsel vm1, v2, v1  }
0xc2: {  	vm4 =	vge.f32 v29, v0;
	vm3 =	vge.f32 v38, v0;
	vm0 =	vge.f32 v32, v5;
	v26 =	vld.idx.msk [tilespmem:v33+s15+$0x0], $0xffff  }
0xc3: {  	vm2 =	vge.f32 v40, v0;
	vm1 =	vge.f32 v43, v0;
	v29 =	vsel vm0, v4, v3;
	v28 =	vld.idx.msk [tilespmem:v41+s15+$0x0], $0xffff  }
0xc4: {  	vm7 =	vge.f32 v53, v5;
	vm0 =	vge.f32 v46, v0;
	vm8 =	vge.f32 v42, v6;
	v30 =	vld.idx.msk [tilespmem:v30+s15+$0x0], $0xffff  }
0xc5: {  	v33 =	vsel vm7, v4, v3;
	v34 =	vsel vm8, v2, v1;
	vm7 =	vge.f32 v45, v0;
	v32 =	vld.idx.msk [tilespmem:v44+s15+$0x0], $0xffff  }
0xc6: {  	s20 =	sadd.s32 $0x80, s20;
	v38 =	vsel vm6, v14, v12;
	vm8 =	vge.f32 v23, v5;
	v23 =	vsel vm7, v34, v33;
	v31 =	vld.idx.msk [tilespmem:v31+s15+$0x0], $0xffff  }
0xc7: {  	v12 =	vsel vm8, v4, v3;
	vm6 =	vge.f32 v25, v6;
	v35 =	vld.idx.msk [tilespmem:v35+s15+$0x0], $0xffff;
	[tilespmem:s20+$0x0] =	vst v23  }
0xc8: {  	v41 =	vsel vm5, v15, v13;
	v14 =	vsel vm6, v2, v1;
	vm6 =	vge.f32 v26, v5;
	v40 =	vld.idx.msk [tilespmem:v47+s15+$0x0], $0xffff  }
0xc9: {  	v34 =	vsel vm4, v17, v16;
	v13 =	vsel vm6, v4, v3;
	vm5 =	vge.f32 v28, v6;
	v36 =	vld.idx.msk [tilespmem:v36+s15+$0x0], $0xffff  }
0xca: {  	v33 =	vsel vm3, v19, v18;
	v15 =	vsel vm5, v2, v1;
	vm4 =	vge.f32 v30, v5;
	v23 =	vld.idx.msk [tilespmem:v48+s15+$0x0], $0xffff  }
.Ltmp1:
0xcb: {  	v30 =	vsel vm2, v27, v20;
	v16 =	vsel vm4, v4, v3;
	vm3 =	vge.f32 v32, v6;
	v25 =	vld.idx.msk [tilespmem:v49+s15+$0x0], $0xffff;
	(pc) =	sbr.rel @p0 .LBB2_4-.Ltmp1, $4  }
0xcc: {  	v17 =	vsel vm3, v2, v1;
	vm2 =	vge.f32 v31, v5;
	v31 =	vsel vm1, v55, v54;
	v27 =	vld.idx.msk [tilespmem:v37+s15+$0x0], $0xffff  }
0xcd: {  	v32 =	vsel vm0, v39, v11;
	v18 =	vsel vm2, v4, v3;
	vm1 =	vge.f32 v35, v6;
	v26 =	vld.idx.msk [tilespmem:v50+s15+$0x0], $0xffff  }
0xce: {  	v11 =	vmov v29;
	v19 =	vsel vm1, v2, v1;
	vm0 =	vge.f32 v40, v5;
	v28 =	vld.idx.msk [tilespmem:v51+s15+$0x0], $0xffff;
	[tilespmem:s19+$0xFFFFFFA0] =	vst v38  }
0xcf: {  	s22 =	sadd.s32 $0x400, s22;
	v20 =	vsel vm0, v4, v3;
	vm0 =	vge.f32 v36, v6;
	v29 =	vld.idx.msk [tilespmem:v52+s15+$0x0], $0xffff;
	[tilespmem:s19+$0xFFFFFFB0] =	vst v41  }
0xd0: {  	_ =	sdelay $0x3  }
0xd1: {  	v21 =	vld.idx.msk [tilespmem:v21+s15+$0x0], $0xffff;
	[tilespmem:s19+$0xFFFFFFC0] =	vst v34  }
0xd2: {  	v24 =	vld.idx.msk [tilespmem:v24+s15+$0x0], $0xffff;
	[tilespmem:s19+$0xFFFFFFD0] =	vst v33  }
0xd3: {  	v22 =	vld.idx.msk [tilespmem:v22+s15+$0x0], $0xffff;
	[tilespmem:s19+$0xFFFFFFE0] =	vst v30  }
0xd4: {  	v10 =	vld.idx.msk [tilespmem:v10+s15+$0x0], $0xffff;
	[tilespmem:s19+$0xFFFFFFF0] =	vst v31;
	vm3 =	vge.f32 v23, v5;
	vm2 =	vge.f32 v26, v0  }
0xd5: {  	[tilespmem:s19+$0xFFFFFF90] =	vst v32;
	vm1 =	vge.f32 v27, v6;
	vm4 =	vge.f32 v28, v0;
	v12 =	vsel vm2, v14, v12  }
0xd6: {  	vm2 =	vge.f32 v25, v6;
	vm5 =	vge.f32 v29, v0;
	v13 =	vsel vm4, v15, v13;
	[tilespmem:s20+$0xFFFFFFA0] =	vst v12  }
0xd7: {  	v12 =	vsel vm0, v2, v1;
	vm0 =	vge.f32 v21, v0;
	v14 =	vsel vm5, v17, v16;
	[tilespmem:s20+$0xFFFFFFB0] =	vst v13  }
0xd8: {  	v13 =	vsel vm3, v4, v3;
	vm3 =	vge.f32 v24, v0;
	v15 =	vsel vm0, v19, v18;
	[tilespmem:s20+$0xFFFFFFC0] =	vst v14  }
0xd9: {  	v14 =	vsel vm2, v2, v1;
	vm0 =	vge.f32 v22, v0;
	v12 =	vsel vm3, v12, v20;
	[tilespmem:s20+$0xFFFFFFD0] =	vst v15  }
0xda: {  	v15 =	vsel vm1, v2, v1;
	vm1 =	vge.f32 v10, v0;
	v10 =	vsel vm0, v14, v13;
	[tilespmem:s20+$0xFFFFFFE0] =	vst v12  }
0xdb: {  	s28 =	simm.s32 $0x0;
	v11 =	vsel vm1, v15, v11;
	[tilespmem:s20+$0xFFFFFFF0] =	vst v10  }
0xdc: {  	s29 =	simm.s32 $0x380;
	v10 =	vadd.s32 s28, v8;
	[tilespmem:s20+$0xFFFFFF90] =	vst v11  }
0xdd: {  	v11 =	vadd.s32 s29, v8;
	_ =	swait.ge [sflag:s14], $0x4000  }
0xde: {  	v12 =	vadd.s32 s29, v9;
	[sflag:s14] =	ssyncset.done $0x0  }
0xdf: {  	s21 =	simm.s32 $0x80;
	v13 =	vadd.s32 s29, v7;
	[sflag:s14] =	ssyncadd.s32 $0xFFFFC000  }
0xe0: {  	v14 =	vadd.s32 s21, v8;
	[tilespmem:s15], [sflag:$0x2] =	stream.linear.gather [hbm4b:s8+s28], $0x4000, $0x38;
	[tilespmem:$0xA240] =	vst v63  }
0xe1: {  	s30 =	simm.s32 $0x100;
	v15 =	vadd.s32 s21, v9;
	v10 =	vld.idx.msk [tilespmem:v10+s2+$0x0], $0xffff  }
0xe2: {  	v16 =	vadd.s32 s30, v8;
	v11 =	vld.idx.msk [tilespmem:v11+s2+$0x0], $0xffff  }
0xe3: {  	s22 =	simm.s32 $0x180;
	v17 =	vadd.s32 s30, v9;
	v12 =	vld.idx.msk [tilespmem:v12+s2+$0x0], $0xffff  }
0xe4: {  	v18 =	vadd.s32 s22, v8;
	v13 =	vld.idx.msk [tilespmem:v13+s2+$0x0], $0xffff  }
0xe5: {  	s23 =	simm.s32 $0x200;
	v19 =	vadd.s32 s22, v9;
	v14 =	vld.idx.msk [tilespmem:v14+s2+$0x0], $0xffff  }
0xe6: {  	s24 =	simm.s32 $0x280;
	v20 =	vadd.s32 s23, v8;
	v15 =	vld.idx.msk [tilespmem:v15+s2+$0x0], $0xffff  }
0xe7: {  	s26 =	simm.s32 $0x780;
	v54 =	vadd.s32 s24, v7;
	v16 =	vld.idx.msk [tilespmem:v16+s2+$0x0], $0xffff  }
0xe8: {  	v36 =	vadd.s32 s26, v9;
	v17 =	vld.idx.msk [tilespmem:v17+s2+$0x0], $0xffff  }
0xe9: {  	s31 =	simm.s32 $0x300;
	v39 =	vadd.s32 s26, v7;
	v18 =	vld.idx.msk [tilespmem:v18+s2+$0x0], $0xffff  }
0xea: {  	v55 =	vadd.s32 s31, v7;
	v19 =	vld.idx.msk [tilespmem:v19+s2+$0x0], $0xffff  }
0xeb: {  	v23 =	vadd.s32 s28, v9;
	v29 =	vadd.s32 s30, v7;
	s30 =	simm.s32 $0x680;
	v22 =	vadd.s32 s28, v7;
	v20 =	vld.idx.msk [tilespmem:v20+s2+$0x0], $0xffff  }
0xec: {  	s25 =	simm.s32 $0x400;
	v27 =	vadd.s32 s31, v9;
	v30 =	vadd.s32 s22, v7;
	v46 =	vadd.s32 s30, v9;
	v32 =	vld.idx.msk [tilespmem:v54+s2+$0x0], $0xffff  }
0xed: {  	v31 =	vadd.s32 s23, v7;
	v35 =	vadd.s32 s25, v9;
	v21 =	vadd.s32 s23, v9;
	v36 =	vld.idx.msk [tilespmem:v36+s2+$0x0], $0xffff  }
0xee: {  	v26 =	vadd.s32 s31, v8;
	s31 =	simm.s32 $0x700;
	v25 =	vadd.s32 s24, v9;
	v28 =	vadd.s32 s21, v7;
	s28 =	simm.s32 $0x480;
	v39 =	vld.idx.msk [tilespmem:v39+s2+$0x0], $0xffff  }
0xef: {  	v47 =	vadd.s32 s31, v8;
	v48 =	vadd.s32 s31, v9;
	s29 =	simm.s32 $0x500;
	v37 =	vadd.s32 s28, v9;
	v33 =	vld.idx.msk [tilespmem:v55+s2+$0x0], $0xffff  }
0xf0: {  	v24 =	vadd.s32 s24, v8;
	v45 =	vadd.s32 s30, v8;
	v38 =	vadd.s32 s29, v8;
	v22 =	vld.idx.msk [tilespmem:v22+s2+$0x0], $0xffff  }
0xf1: {  	v40 =	vadd.s32 s29, v9;
	v50 =	vadd.s32 s29, v7;
	v56 =	vadd.s32 s28, v8;
	v63 =	vld.idx.msk [tilespmem:v46+s2+$0x0], $0xffff  }
0xf2: {  	v49 =	vadd.s32 s28, v7;
	vm0 =	vge.f32 v10, v5;
	vm1 =	vge.f32 v11, v5;
	v10 =	vld.idx.msk [tilespmem:v21+s2+$0x0], $0xffff  }
0xf3: {  	vm2 =	vge.f32 v12, v6;
	v21 =	vld.idx.msk [tilespmem:v29+s2+$0x0], $0xffff;
	vm8 =	vge.f32 v36, v6;
	vm14 =	vge.f32 v39, v0  }
0xf4: {  	v57 =	vld.idx.msk [tilespmem:v37+s2+$0x0], $0xffff;
	v11 =	vsel vm1, v4, v3;
	v12 =	vsel vm2, v2, v1;
	vm1 =	vge.f32 v13, v0  }
0xf5: {  	v13 =	vld.idx.msk [tilespmem:v24+s2+$0x0], $0xffff;
	v24 =	vsel vm0, v4, v3;
	vm0 =	vge.f32 v14, v5;
	v11 =	vsel vm1, v12, v11  }
0xf6: {  	v12 =	vld.idx.msk [tilespmem:v25+s2+$0x0], $0xffff;
	v14 =	vsel vm0, v4, v3;
	vm0 =	vge.f32 v15, v6;
	vm1 =	vge.f32 v16, v5  }
0xf7: {  	v15 =	vld.idx.msk [tilespmem:v26+s2+$0x0], $0xffff;
	v16 =	vsel vm0, v2, v1;
	v25 =	vsel vm1, v4, v3;
	vm0 =	vge.f32 v17, v6  }
0xf8: {  	v17 =	vld.idx.msk [tilespmem:v27+s2+$0x0], $0xffff;
	vm1 =	vge.f32 v19, v6;
	v26 =	vsel vm0, v2, v1;
	vm0 =	vge.f32 v18, v5  }
0xf9: {  	v18 =	vld.idx.msk [tilespmem:v23+s2+$0x0], $0xffff;
	v23 =	vsel vm1, v2, v1;
	v19 =	vsel vm0, v4, v3;
	vm0 =	vge.f32 v20, v5  }
0xfa: {  	v20 =	vld.idx.msk [tilespmem:v28+s2+$0x0], $0xffff;
	vm5 =	vge.f32 v21, v0;
	vm12 =	vge.f32 v57, v6;
	v27 =	vsel vm0, v4, v3  }
0xfb: {  	vm0 =	vge.f32 v10, v6;
	vm1 =	vge.f32 v13, v5;
	v13 =	vld.idx.msk [tilespmem:v30+s2+$0x0], $0xffff;
	v30 =	vadd.s32 s25, v8  }
0xfc: {  	v10 =	vadd.s32 s25, v7;
	v62 =	vsel vm5, v26, v25;
	v25 =	vld.idx.msk [tilespmem:v48+s2+$0x0], $0xffff;
	v28 =	vsel vm0, v2, v1  }
0xfd: {  	s25 =	simm.s32 $0x580;
	v29 =	vsel vm1, v4, v3;
	vm0 =	vge.f32 v12, v6;
	v12 =	vld.idx.msk [tilespmem:v31+s2+$0x0], $0xffff;
	v31 =	vadd.s32 s26, v8  }
0xfe: {  	v26 =	vld.idx.msk [tilespmem:v49+s2+$0x0], $0xffff;
	s26 =	simm.s32 $0x600;
	v41 =	vadd.s32 s25, v8;
	v42 =	vadd.s32 s25, v9;
	v51 =	vadd.s32 s25, v7  }
0xff: {  	vm2 =	vge.f32 v15, v5;
	v15 =	vld.idx.msk [tilespmem:v56+s2+$0x0], $0xffff;
	v43 =	vadd.s32 s26, v8;
	v44 =	vadd.s32 s26, v9  }
0x100: {  	vm3 =	vge.f32 v17, v6;
	v17 =	vsel vm0, v2, v1;
	vm13 =	vge.f32 v20, v0;
	v20 =	vld.idx.msk [tilespmem:v38+s2+$0x0], $0xffff  }
0x101: {  	v21 =	vadd.s32 s26, v7;
	vm1 =	vge.f32 v18, v6;
	v18 =	vsel vm2, v4, v3;
	v30 =	vld.idx.msk [tilespmem:v30+s2+$0x0], $0xffff  }
0x102: {  	v52 =	vsel vm3, v2, v1;
	vm2 =	vge.f32 v32, v0;
	v58 =	vsel vm1, v2, v1;
	v31 =	vld.idx.msk [tilespmem:v31+s2+$0x0], $0xffff  }
0x103: {  	vm1 =	vge.f32 v22, v0;
	vm6 =	vge.f32 v13, v0;
	v13 =	vsel vm8, v2, v1;
	v22 =	vld.idx.msk [tilespmem:v42+s2+$0x0], $0xffff  }
0x104: {  	s19 =	simm.s32 $0x92B0;
	v60 =	vsel vm13, v16, v14;
	v14 =	vsel vm12, v2, v1;
	v32 =	vsel vm1, v58, v24;
	v59 =	vld.idx.msk [tilespmem:v41+s2+$0x0], $0xffff  }
0x105: {  	[tilespmem:s19+$0x0] =	vst v11;
	v24 =	vadd.s32 s30, v7;
	vm3 =	vge.f32 v12, v0;
	vm15 =	vge.f32 v15, v5;
	v61 =	vld.idx.msk [tilespmem:v44+s2+$0x0], $0xffff  }
0x106: {  	v34 =	vsel vm6, v23, v19;
	vm13 =	vge.f32 v20, v5;
	vm0 =	vge.f32 v30, v5;
	v30 =	vld.idx.msk [tilespmem:v40+s2+$0x0], $0xffff  }
0x107: {  	v11 =	vsel vm0, v4, v3;
	vm0 =	vge.f32 v33, v0;
	vm7 =	vge.f32 v31, v5;
	v31 =	vld.idx.msk [tilespmem:v43+s2+$0x0], $0xffff  }
0x108: {  	v20 =	vld.idx.msk [tilespmem:v45+s2+$0x0], $0xffff;
	v33 =	vsel vm3, v28, v27;
	vm3 =	vge.f32 v22, v6;
	v12 =	vsel vm7, v4, v3  }
0x109: {  	s20 =	simm.s32 $0x9330;
	[tilespmem:s19+$0xFFFFFFB0] =	vst v62;
	v13 =	vsel vm14, v13, v12;
	v12 =	vsel vm15, v4, v3;
	vm15 =	vge.f32 v59, v5  }
0x10a: {  	v23 =	vld.idx.msk [tilespmem:v47+s2+$0x0], $0xffff;
	v22 =	vadd.s32 s31, v7;
	[tilespmem:s20+$0x0] =	vst v13;
	v13 =	vsel vm13, v4, v3;
	v16 =	vsel vm15, v4, v3  }
0x10b: {  	[tilespmem:s19+$0xFFFFFFA0] =	vst v60;
	vm14 =	vge.f32 v30, v6;
	v30 =	vsel vm2, v17, v29;
	v17 =	vsel vm3, v2, v1  }
0x10c: {  	v27 =	vld.idx.msk [tilespmem:v35+s2+$0x0], $0xffff;
	vm2 =	vge.f32 v31, v5;
	v31 =	vsel vm0, v52, v18;
	vm0 =	vge.f32 v61, v6  }
0x10d: {  	v28 =	vld.idx.msk [tilespmem:v50+s2+$0x0], $0xffff;
	v15 =	vsel vm14, v2, v1;
	v19 =	vsel vm0, v2, v1;
	vm0 =	vge.f32 v20, v5  }
0x10e: {  	s22 =	simm.s32 $0x800;
	s21 =	simm.s32 $0x8;
	v29 =	vld.idx.msk [tilespmem:v51+s2+$0x0], $0xffff;
	v18 =	vsel vm2, v4, v3;
	v20 =	vsel vm0, v4, v3;
	vm0 =	vge.f32 v63, v6  }
.LBB2_6:
0x10f: {  	v35 =	vadd.s32 s22, v7;
	v36 =	vadd.s32 s22, v8;
	v37 =	vadd.s32 s22, v9;
	s23 =	sadd.s32 $0x80, s22;
	s24 =	sadd.s32 $0x100, s22;
	s25 =	sadd.s32 $0x380, s22;
	v38 =	vld.idx.msk [tilespmem:v21+s2+$0x0], $0xffff;
	[tilespmem:s19+$0xFFFFFFC0] =	vst v34  }
0x110: {  	s26 =	sadd.s32 $0x180, s22;
	s28 =	sadd.s32 $0x200, s22;
	s21 =	sadd.s32 $0x8, s21;
	v34 =	vadd.s32 s23, v8;
	v39 =	vadd.s32 s23, v9;
	v21 =	vadd.s32 s25, v8;
	v40 =	vld.idx.msk [tilespmem:v24+s2+$0x0], $0xffff;
	[tilespmem:s19+$0xFFFFFFD0] =	vst v33  }
0x111: {  	s29 =	sadd.s32 $0x280, s22;
	s30 =	sadd.s32 $0x300, s22;
	v33 =	vadd.s32 s24, v8;
	v41 =	vadd.s32 s24, v9;
	v42 =	vadd.s32 s25, v9;
	p0 =	slt.u32 s21, $0x78;
	v43 =	vld.idx.msk [tilespmem:v22+s2+$0x0], $0xffff;
	[tilespmem:s19+$0xFFFFFFE0] =	vst v30  }
0x112: {  	v44 =	vadd.s32 s26, v9;
	v45 =	vadd.s32 s25, v7;
	v30 =	vadd.s32 s26, v8;
	v46 =	vld.idx.msk [tilespmem:v10+s2+$0x0], $0xffff;
	[tilespmem:s19+$0xFFFFFFF0] =	vst v31;
	v10 =	vmovc v35  }
0x113: {  	v47 =	vadd.s32 s29, v8;
	v31 =	vadd.s32 s28, v8;
	v35 =	vadd.s32 s28, v9;
	[tilespmem:s19+$0xFFFFFF90] =	vst v32;
	s19 =	smov.u32 s20  }
0x114: {  	v48 =	vadd.s32 s30, v8;
	v49 =	vadd.s32 s30, v9;
	v32 =	vld.idx.msk [tilespmem:v36+s2+$0x0], $0xffff;
	v36 =	vadd.s32 s29, v9  }
0x115: {  	v50 =	vadd.s32 s23, v7;
	v51 =	vadd.s32 s24, v7;
	v52 =	vadd.s32 s26, v7;
	v53 =	vld.idx.msk [tilespmem:v21+s2+$0x0], $0xffff  }
0x116: {  	v24 =	vadd.s32 s29, v7;
	v22 =	vadd.s32 s30, v7;
	v21 =	vadd.s32 s28, v7;
	v42 =	vld.idx.msk [tilespmem:v42+s2+$0x0], $0xffff  }
0x117: {  	vm2 =	vge.f32 v23, v5;
	vm3 =	vge.f32 v25, v6;
	vm1 =	vge.f32 v27, v6;
	v45 =	vld.idx.msk [tilespmem:v45+s2+$0x0], $0xffff  }
0x118: {  	v27 =	vsel vm0, v2, v1;
	v54 =	vsel vm2, v4, v3;
	v55 =	vsel vm3, v2, v1;
	v23 =	vld.idx.msk [tilespmem:v34+s2+$0x0], $0xffff  }
0x119: {  	vm6 =	vge.f32 v26, v0;
	vm5 =	vge.f32 v28, v0;
	v25 =	vld.idx.msk [tilespmem:v39+s2+$0x0], $0xffff;
	v39 =	vsel vm1, v2, v1  }
0x11a: {  	vm4 =	vge.f32 v29, v0;
	vm3 =	vge.f32 v38, v0;
	vm0 =	vge.f32 v32, v5;
	v26 =	vld.idx.msk [tilespmem:v33+s2+$0x0], $0xffff  }
0x11b: {  	vm2 =	vge.f32 v40, v0;
	vm1 =	vge.f32 v43, v0;
	v29 =	vsel vm0, v4, v3;
	v28 =	vld.idx.msk [tilespmem:v41+s2+$0x0], $0xffff  }
0x11c: {  	vm7 =	vge.f32 v53, v5;
	vm0 =	vge.f32 v46, v0;
	vm8 =	vge.f32 v42, v6;
	v30 =	vld.idx.msk [tilespmem:v30+s2+$0x0], $0xffff  }
0x11d: {  	v33 =	vsel vm7, v4, v3;
	v34 =	vsel vm8, v2, v1;
	vm7 =	vge.f32 v45, v0;
	v32 =	vld.idx.msk [tilespmem:v44+s2+$0x0], $0xffff  }
0x11e: {  	s20 =	sadd.s32 $0x80, s20;
	v38 =	vsel vm6, v14, v12;
	vm8 =	vge.f32 v23, v5;
	v23 =	vsel vm7, v34, v33;
	v31 =	vld.idx.msk [tilespmem:v31+s2+$0x0], $0xffff  }
0x11f: {  	v12 =	vsel vm8, v4, v3;
	vm6 =	vge.f32 v25, v6;
	v35 =	vld.idx.msk [tilespmem:v35+s2+$0x0], $0xffff;
	[tilespmem:s20+$0x0] =	vst v23  }
0x120: {  	v41 =	vsel vm5, v15, v13;
	v14 =	vsel vm6, v2, v1;
	vm6 =	vge.f32 v26, v5;
	v40 =	vld.idx.msk [tilespmem:v47+s2+$0x0], $0xffff  }
0x121: {  	v34 =	vsel vm4, v17, v16;
	v13 =	vsel vm6, v4, v3;
	vm5 =	vge.f32 v28, v6;
	v36 =	vld.idx.msk [tilespmem:v36+s2+$0x0], $0xffff  }
0x122: {  	v33 =	vsel vm3, v19, v18;
	v15 =	vsel vm5, v2, v1;
	vm4 =	vge.f32 v30, v5;
	v23 =	vld.idx.msk [tilespmem:v48+s2+$0x0], $0xffff  }
.Ltmp2:
0x123: {  	v30 =	vsel vm2, v27, v20;
	v16 =	vsel vm4, v4, v3;
	vm3 =	vge.f32 v32, v6;
	v25 =	vld.idx.msk [tilespmem:v49+s2+$0x0], $0xffff;
	(pc) =	sbr.rel @p0 .LBB2_6-.Ltmp2, $4  }
0x124: {  	v17 =	vsel vm3, v2, v1;
	vm2 =	vge.f32 v31, v5;
	v31 =	vsel vm1, v55, v54;
	v27 =	vld.idx.msk [tilespmem:v37+s2+$0x0], $0xffff  }
0x125: {  	v32 =	vsel vm0, v39, v11;
	v18 =	vsel vm2, v4, v3;
	vm1 =	vge.f32 v35, v6;
	v26 =	vld.idx.msk [tilespmem:v50+s2+$0x0], $0xffff  }
0x126: {  	v11 =	vmov v29;
	v19 =	vsel vm1, v2, v1;
	vm0 =	vge.f32 v40, v5;
	v28 =	vld.idx.msk [tilespmem:v51+s2+$0x0], $0xffff;
	[tilespmem:s19+$0xFFFFFFA0] =	vst v38  }
0x127: {  	s22 =	sadd.s32 $0x400, s22;
	v20 =	vsel vm0, v4, v3;
	vm0 =	vge.f32 v36, v6;
	v29 =	vld.idx.msk [tilespmem:v52+s2+$0x0], $0xffff;
	[tilespmem:s19+$0xFFFFFFB0] =	vst v41  }
0x128: {  	_ =	sdelay $0x3  }
0x129: {  	v21 =	vld.idx.msk [tilespmem:v21+s2+$0x0], $0xffff;
	[tilespmem:s19+$0xFFFFFFC0] =	vst v34  }
0x12a: {  	v24 =	vld.idx.msk [tilespmem:v24+s2+$0x0], $0xffff;
	[tilespmem:s19+$0xFFFFFFD0] =	vst v33  }
0x12b: {  	v22 =	vld.idx.msk [tilespmem:v22+s2+$0x0], $0xffff;
	[tilespmem:s19+$0xFFFFFFE0] =	vst v30  }
0x12c: {  	v10 =	vld.idx.msk [tilespmem:v10+s2+$0x0], $0xffff;
	[tilespmem:s19+$0xFFFFFFF0] =	vst v31;
	vm3 =	vge.f32 v23, v5;
	vm2 =	vge.f32 v26, v0  }
0x12d: {  	[tilespmem:s19+$0xFFFFFF90] =	vst v32;
	vm1 =	vge.f32 v27, v6;
	vm4 =	vge.f32 v28, v0;
	v12 =	vsel vm2, v14, v12  }
0x12e: {  	vm2 =	vge.f32 v25, v6;
	vm5 =	vge.f32 v29, v0;
	v13 =	vsel vm4, v15, v13;
	[tilespmem:s20+$0xFFFFFFA0] =	vst v12  }
0x12f: {  	v12 =	vsel vm0, v2, v1;
	vm0 =	vge.f32 v21, v0;
	v14 =	vsel vm5, v17, v16;
	[tilespmem:s20+$0xFFFFFFB0] =	vst v13  }
0x130: {  	v13 =	vsel vm3, v4, v3;
	vm3 =	vge.f32 v24, v0;
	v15 =	vsel vm0, v19, v18;
	[tilespmem:s20+$0xFFFFFFC0] =	vst v14  }
0x131: {  	v14 =	vsel vm2, v2, v1;
	vm0 =	vge.f32 v22, v0;
	v12 =	vsel vm3, v12, v20;
	[tilespmem:s20+$0xFFFFFFD0] =	vst v15  }
0x132: {  	s28 =	simm.s32 $0x0;
	v15 =	vsel vm1, v2, v1;
	vm1 =	vge.f32 v10, v0;
	v10 =	vsel vm0, v14, v13;
	[tilespmem:s20+$0xFFFFFFE0] =	vst v12  }
0x133: {  	s21 =	simm.s32 $0x380;
	v11 =	vsel vm1, v15, v11;
	[tilespmem:s20+$0xFFFFFFF0] =	vst v10;
	v10 =	vadd.s32 s28, v8  }
0x134: {  	v12 =	vadd.s32 s21, v9;
	[tilespmem:s20+$0xFFFFFF90] =	vst v11  }
0x135: {  	s29 =	simm.s32 $0x80;
	v13 =	vadd.s32 s21, v7;
	_ =	swait.ge [sflag:s16], $0x4000  }
0x136: {  	v14 =	vadd.s32 s29, v8;
	[sflag:s16] =	ssyncset.done $0x0  }
0x137: {  	s30 =	simm.s32 $0x100;
	v15 =	vadd.s32 s29, v9;
	[sflag:s16] =	ssyncadd.s32 $0xFFFFC000  }
0x138: {  	v16 =	vadd.s32 s30, v8;
	v10 =	vld.idx.msk [tilespmem:v10+s15+$0x0], $0xffff  }
0x139: {  	s22 =	simm.s32 $0x180;
	v17 =	vadd.s32 s30, v9;
	v12 =	vld.idx.msk [tilespmem:v12+s15+$0x0], $0xffff  }
0x13a: {  	v18 =	vadd.s32 s22, v8;
	v13 =	vld.idx.msk [tilespmem:v13+s15+$0x0], $0xffff  }
0x13b: {  	s23 =	simm.s32 $0x200;
	v19 =	vadd.s32 s22, v9;
	v14 =	vld.idx.msk [tilespmem:v14+s15+$0x0], $0xffff  }
0x13c: {  	s24 =	simm.s32 $0x280;
	v20 =	vadd.s32 s23, v8;
	v15 =	vld.idx.msk [tilespmem:v15+s15+$0x0], $0xffff  }
0x13d: {  	s26 =	simm.s32 $0x780;
	v54 =	vadd.s32 s24, v7;
	v16 =	vld.idx.msk [tilespmem:v16+s15+$0x0], $0xffff  }
0x13e: {  	v36 =	vadd.s32 s26, v9;
	v17 =	vld.idx.msk [tilespmem:v17+s15+$0x0], $0xffff  }
0x13f: {  	v39 =	vadd.s32 s26, v7;
	v18 =	vld.idx.msk [tilespmem:v18+s15+$0x0], $0xffff  }
0x140: {  	v23 =	vadd.s32 s28, v9;
	v22 =	vadd.s32 s28, v7;
	s28 =	simm.s32 $0x480;
	v11 =	vadd.s32 s21, v8;
	v19 =	vld.idx.msk [tilespmem:v19+s15+$0x0], $0xffff  }
0x141: {  	s31 =	simm.s32 $0x300;
	v37 =	vadd.s32 s28, v9;
	v20 =	vld.idx.msk [tilespmem:v20+s15+$0x0], $0xffff  }
0x142: {  	v55 =	vadd.s32 s31, v7;
	v32 =	vld.idx.msk [tilespmem:v54+s15+$0x0], $0xffff  }
0x143: {  	s25 =	simm.s32 $0x400;
	v27 =	vadd.s32 s31, v9;
	v30 =	vadd.s32 s22, v7;
	v29 =	vadd.s32 s30, v7;
	s30 =	simm.s32 $0x680;
	v36 =	vld.idx.msk [tilespmem:v36+s15+$0x0], $0xffff  }
0x144: {  	v31 =	vadd.s32 s23, v7;
	v35 =	vadd.s32 s25, v9;
	v46 =	vadd.s32 s30, v9;
	v39 =	vld.idx.msk [tilespmem:v39+s15+$0x0], $0xffff  }
0x145: {  	v26 =	vadd.s32 s31, v8;
	s31 =	simm.s32 $0x700;
	v25 =	vadd.s32 s24, v9;
	v21 =	vadd.s32 s23, v9;
	v11 =	vld.idx.msk [tilespmem:v11+s15+$0x0], $0xffff  }
0x146: {  	v28 =	vadd.s32 s29, v7;
	v47 =	vadd.s32 s31, v8;
	v48 =	vadd.s32 s31, v9;
	v57 =	vld.idx.msk [tilespmem:v37+s15+$0x0], $0xffff  }
0x147: {  	v24 =	vadd.s32 s24, v8;
	v45 =	vadd.s32 s30, v8;
	s29 =	simm.s32 $0x500;
	v56 =	vadd.s32 s28, v8;
	v33 =	vld.idx.msk [tilespmem:v55+s15+$0x0], $0xffff  }
0x148: {  	v38 =	vadd.s32 s29, v8;
	v40 =	vadd.s32 s29, v9;
	v49 =	vadd.s32 s28, v7;
	v22 =	vld.idx.msk [tilespmem:v22+s15+$0x0], $0xffff  }
0x149: {  	v50 =	vadd.s32 s29, v7;
	v63 =	vld.idx.msk [tilespmem:v46+s15+$0x0], $0xffff;
	vm0 =	vge.f32 v10, v5;
	vm2 =	vge.f32 v12, v6  }
0x14a: {  	v10 =	vld.idx.msk [tilespmem:v21+s15+$0x0], $0xffff;
	vm8 =	vge.f32 v36, v6;
	vm14 =	vge.f32 v39, v0;
	vm1 =	vge.f32 v11, v5  }
0x14b: {  	v21 =	vld.idx.msk [tilespmem:v29+s15+$0x0], $0xffff;
	v12 =	vsel vm2, v2, v1;
	vm12 =	vge.f32 v57, v6;
	v11 =	vsel vm1, v4, v3  }
0x14c: {  	vm1 =	vge.f32 v13, v0;
	v13 =	vld.idx.msk [tilespmem:v24+s15+$0x0], $0xffff;
	v24 =	vsel vm0, v4, v3;
	vm0 =	vge.f32 v14, v5  }
0x14d: {  	v11 =	vsel vm1, v12, v11;
	v12 =	vld.idx.msk [tilespmem:v25+s15+$0x0], $0xffff;
	v14 =	vsel vm0, v4, v3;
	vm0 =	vge.f32 v15, v6  }
0x14e: {  	vm1 =	vge.f32 v16, v5;
	v15 =	vld.idx.msk [tilespmem:v26+s15+$0x0], $0xffff;
	v16 =	vsel vm0, v2, v1;
	vm0 =	vge.f32 v17, v6  }
0x14f: {  	v25 =	vsel vm1, v4, v3;
	v17 =	vld.idx.msk [tilespmem:v27+s15+$0x0], $0xffff;
	vm1 =	vge.f32 v19, v6;
	v26 =	vsel vm0, v2, v1  }
0x150: {  	vm0 =	vge.f32 v18, v5;
	v18 =	vld.idx.msk [tilespmem:v23+s15+$0x0], $0xffff;
	v23 =	vsel vm1, v2, v1;
	vm5 =	vge.f32 v21, v0  }
0x151: {  	v19 =	vsel vm0, v4, v3;
	vm0 =	vge.f32 v20, v5;
	v20 =	vld.idx.msk [tilespmem:v28+s15+$0x0], $0xffff;
	v62 =	vsel vm5, v26, v25  }
0x152: {  	v25 =	vld.idx.msk [tilespmem:v48+s15+$0x0], $0xffff;
	v27 =	vsel vm0, v4, v3;
	vm0 =	vge.f32 v10, v6;
	vm1 =	vge.f32 v13, v5  }
0x153: {  	v13 =	vld.idx.msk [tilespmem:v30+s15+$0x0], $0xffff;
	v30 =	vadd.s32 s25, v8;
	v10 =	vadd.s32 s25, v7;
	v28 =	vsel vm0, v2, v1  }
0x154: {  	s25 =	simm.s32 $0x580;
	v29 =	vsel vm1, v4, v3;
	vm0 =	vge.f32 v12, v6;
	v12 =	vld.idx.msk [tilespmem:v31+s15+$0x0], $0xffff;
	v31 =	vadd.s32 s26, v8  }
0x155: {  	v26 =	vld.idx.msk [tilespmem:v49+s15+$0x0], $0xffff;
	s26 =	simm.s32 $0x600;
	v41 =	vadd.s32 s25, v8;
	v42 =	vadd.s32 s25, v9;
	v51 =	vadd.s32 s25, v7  }
0x156: {  	vm2 =	vge.f32 v15, v5;
	v15 =	vld.idx.msk [tilespmem:v56+s15+$0x0], $0xffff;
	v43 =	vadd.s32 s26, v8;
	v44 =	vadd.s32 s26, v9  }
0x157: {  	vm3 =	vge.f32 v17, v6;
	v17 =	vsel vm0, v2, v1;
	vm13 =	vge.f32 v20, v0;
	v20 =	vld.idx.msk [tilespmem:v38+s15+$0x0], $0xffff  }
0x158: {  	v21 =	vadd.s32 s26, v7;
	vm1 =	vge.f32 v18, v6;
	v18 =	vsel vm2, v4, v3;
	v30 =	vld.idx.msk [tilespmem:v30+s15+$0x0], $0xffff  }
0x159: {  	v52 =	vsel vm3, v2, v1;
	vm2 =	vge.f32 v32, v0;
	v58 =	vsel vm1, v2, v1;
	v31 =	vld.idx.msk [tilespmem:v31+s15+$0x0], $0xffff  }
0x15a: {  	vm1 =	vge.f32 v22, v0;
	vm6 =	vge.f32 v13, v0;
	v13 =	vsel vm8, v2, v1;
	v22 =	vld.idx.msk [tilespmem:v42+s15+$0x0], $0xffff  }
0x15b: {  	s19 =	simm.s32 $0x9AB0;
	v60 =	vsel vm13, v16, v14;
	v14 =	vsel vm12, v2, v1;
	v32 =	vsel vm1, v58, v24;
	v59 =	vld.idx.msk [tilespmem:v41+s15+$0x0], $0xffff  }
0x15c: {  	[tilespmem:s19+$0x0] =	vst v11;
	v24 =	vadd.s32 s30, v7;
	vm3 =	vge.f32 v12, v0;
	vm15 =	vge.f32 v15, v5;
	v61 =	vld.idx.msk [tilespmem:v44+s15+$0x0], $0xffff  }
0x15d: {  	v34 =	vsel vm6, v23, v19;
	vm13 =	vge.f32 v20, v5;
	vm0 =	vge.f32 v30, v5;
	v30 =	vld.idx.msk [tilespmem:v40+s15+$0x0], $0xffff  }
0x15e: {  	v11 =	vsel vm0, v4, v3;
	vm0 =	vge.f32 v33, v0;
	vm7 =	vge.f32 v31, v5;
	v31 =	vld.idx.msk [tilespmem:v43+s15+$0x0], $0xffff  }
0x15f: {  	v20 =	vld.idx.msk [tilespmem:v45+s15+$0x0], $0xffff;
	v33 =	vsel vm3, v28, v27;
	vm3 =	vge.f32 v22, v6;
	v12 =	vsel vm7, v4, v3  }
0x160: {  	s20 =	simm.s32 $0x9B30;
	[tilespmem:s19+$0xFFFFFFB0] =	vst v62;
	v13 =	vsel vm14, v13, v12;
	v12 =	vsel vm15, v4, v3;
	vm15 =	vge.f32 v59, v5  }
0x161: {  	v23 =	vld.idx.msk [tilespmem:v47+s15+$0x0], $0xffff;
	v22 =	vadd.s32 s31, v7;
	[tilespmem:s20+$0x0] =	vst v13;
	v13 =	vsel vm13, v4, v3;
	v16 =	vsel vm15, v4, v3  }
0x162: {  	[tilespmem:s19+$0xFFFFFFA0] =	vst v60;
	vm14 =	vge.f32 v30, v6;
	v30 =	vsel vm2, v17, v29;
	v17 =	vsel vm3, v2, v1  }
0x163: {  	v27 =	vld.idx.msk [tilespmem:v35+s15+$0x0], $0xffff;
	vm2 =	vge.f32 v31, v5;
	v31 =	vsel vm0, v52, v18;
	vm0 =	vge.f32 v61, v6  }
0x164: {  	v28 =	vld.idx.msk [tilespmem:v50+s15+$0x0], $0xffff;
	v15 =	vsel vm14, v2, v1;
	v19 =	vsel vm0, v2, v1;
	vm0 =	vge.f32 v20, v5  }
0x165: {  	s22 =	simm.s32 $0x800;
	s21 =	simm.s32 $0x8;
	v29 =	vld.idx.msk [tilespmem:v51+s15+$0x0], $0xffff;
	v18 =	vsel vm2, v4, v3;
	v20 =	vsel vm0, v4, v3;
	vm0 =	vge.f32 v63, v6  }
.LBB2_8:
0x166: {  	v35 =	vadd.s32 s22, v7;
	v36 =	vadd.s32 s22, v8;
	v37 =	vadd.s32 s22, v9;
	s23 =	sadd.s32 $0x80, s22;
	s24 =	sadd.s32 $0x100, s22;
	s25 =	sadd.s32 $0x380, s22;
	v38 =	vld.idx.msk [tilespmem:v21+s15+$0x0], $0xffff;
	[tilespmem:s19+$0xFFFFFFC0] =	vst v34  }
0x167: {  	s26 =	sadd.s32 $0x180, s22;
	s28 =	sadd.s32 $0x200, s22;
	s21 =	sadd.s32 $0x8, s21;
	v34 =	vadd.s32 s23, v8;
	v39 =	vadd.s32 s23, v9;
	v21 =	vadd.s32 s25, v8;
	v40 =	vld.idx.msk [tilespmem:v24+s15+$0x0], $0xffff;
	[tilespmem:s19+$0xFFFFFFD0] =	vst v33  }
0x168: {  	s29 =	sadd.s32 $0x280, s22;
	s30 =	sadd.s32 $0x300, s22;
	v33 =	vadd.s32 s24, v8;
	v41 =	vadd.s32 s24, v9;
	v42 =	vadd.s32 s25, v9;
	p0 =	slt.u32 s21, $0x78;
	v43 =	vld.idx.msk [tilespmem:v22+s15+$0x0], $0xffff;
	[tilespmem:s19+$0xFFFFFFE0] =	vst v30  }
0x169: {  	v44 =	vadd.s32 s26, v9;
	v45 =	vadd.s32 s25, v7;
	v30 =	vadd.s32 s26, v8;
	v46 =	vld.idx.msk [tilespmem:v10+s15+$0x0], $0xffff;
	[tilespmem:s19+$0xFFFFFFF0] =	vst v31;
	v10 =	vmovc v35  }
0x16a: {  	v47 =	vadd.s32 s29, v8;
	v31 =	vadd.s32 s28, v8;
	v35 =	vadd.s32 s28, v9;
	[tilespmem:s19+$0xFFFFFF90] =	vst v32;
	s19 =	smov.u32 s20  }
0x16b: {  	v48 =	vadd.s32 s30, v8;
	v49 =	vadd.s32 s30, v9;
	v32 =	vld.idx.msk [tilespmem:v36+s15+$0x0], $0xffff;
	v36 =	vadd.s32 s29, v9  }
0x16c: {  	v50 =	vadd.s32 s23, v7;
	v51 =	vadd.s32 s24, v7;
	v52 =	vadd.s32 s26, v7;
	v53 =	vld.idx.msk [tilespmem:v21+s15+$0x0], $0xffff  }
0x16d: {  	v24 =	vadd.s32 s29, v7;
	v22 =	vadd.s32 s30, v7;
	v21 =	vadd.s32 s28, v7;
	v42 =	vld.idx.msk [tilespmem:v42+s15+$0x0], $0xffff  }
0x16e: {  	vm2 =	vge.f32 v23, v5;
	vm3 =	vge.f32 v25, v6;
	vm1 =	vge.f32 v27, v6;
	v45 =	vld.idx.msk [tilespmem:v45+s15+$0x0], $0xffff  }
0x16f: {  	v27 =	vsel vm0, v2, v1;
	v54 =	vsel vm2, v4, v3;
	v55 =	vsel vm3, v2, v1;
	v23 =	vld.idx.msk [tilespmem:v34+s15+$0x0], $0xffff  }
0x170: {  	vm6 =	vge.f32 v26, v0;
	vm5 =	vge.f32 v28, v0;
	v25 =	vld.idx.msk [tilespmem:v39+s15+$0x0], $0xffff;
	v39 =	vsel vm1, v2, v1  }
0x171: {  	vm4 =	vge.f32 v29, v0;
	vm3 =	vge.f32 v38, v0;
	vm0 =	vge.f32 v32, v5;
	v26 =	vld.idx.msk [tilespmem:v33+s15+$0x0], $0xffff  }
0x172: {  	vm2 =	vge.f32 v40, v0;
	vm1 =	vge.f32 v43, v0;
	v29 =	vsel vm0, v4, v3;
	v28 =	vld.idx.msk [tilespmem:v41+s15+$0x0], $0xffff  }
0x173: {  	vm7 =	vge.f32 v53, v5;
	vm0 =	vge.f32 v46, v0;
	vm8 =	vge.f32 v42, v6;
	v30 =	vld.idx.msk [tilespmem:v30+s15+$0x0], $0xffff  }
0x174: {  	v33 =	vsel vm7, v4, v3;
	v34 =	vsel vm8, v2, v1;
	vm7 =	vge.f32 v45, v0;
	v32 =	vld.idx.msk [tilespmem:v44+s15+$0x0], $0xffff  }
0x175: {  	s20 =	sadd.s32 $0x80, s20;
	v38 =	vsel vm6, v14, v12;
	vm8 =	vge.f32 v23, v5;
	v23 =	vsel vm7, v34, v33;
	v31 =	vld.idx.msk [tilespmem:v31+s15+$0x0], $0xffff  }
0x176: {  	v12 =	vsel vm8, v4, v3;
	vm6 =	vge.f32 v25, v6;
	v35 =	vld.idx.msk [tilespmem:v35+s15+$0x0], $0xffff;
	[tilespmem:s20+$0x0] =	vst v23  }
0x177: {  	v41 =	vsel vm5, v15, v13;
	v14 =	vsel vm6, v2, v1;
	vm6 =	vge.f32 v26, v5;
	v40 =	vld.idx.msk [tilespmem:v47+s15+$0x0], $0xffff  }
0x178: {  	v34 =	vsel vm4, v17, v16;
	v13 =	vsel vm6, v4, v3;
	vm5 =	vge.f32 v28, v6;
	v36 =	vld.idx.msk [tilespmem:v36+s15+$0x0], $0xffff  }
0x179: {  	v33 =	vsel vm3, v19, v18;
	v15 =	vsel vm5, v2, v1;
	vm4 =	vge.f32 v30, v5;
	v23 =	vld.idx.msk [tilespmem:v48+s15+$0x0], $0xffff  }
.Ltmp3:
0x17a: {  	v30 =	vsel vm2, v27, v20;
	v16 =	vsel vm4, v4, v3;
	vm3 =	vge.f32 v32, v6;
	v25 =	vld.idx.msk [tilespmem:v49+s15+$0x0], $0xffff;
	(pc) =	sbr.rel @p0 .LBB2_8-.Ltmp3, $4  }
0x17b: {  	v17 =	vsel vm3, v2, v1;
	vm2 =	vge.f32 v31, v5;
	v31 =	vsel vm1, v55, v54;
	v27 =	vld.idx.msk [tilespmem:v37+s15+$0x0], $0xffff  }
0x17c: {  	v32 =	vsel vm0, v39, v11;
	v18 =	vsel vm2, v4, v3;
	vm1 =	vge.f32 v35, v6;
	v26 =	vld.idx.msk [tilespmem:v50+s15+$0x0], $0xffff  }
0x17d: {  	v11 =	vmov v29;
	v19 =	vsel vm1, v2, v1;
	vm0 =	vge.f32 v40, v5;
	v28 =	vld.idx.msk [tilespmem:v51+s15+$0x0], $0xffff;
	[tilespmem:s19+$0xFFFFFFA0] =	vst v38  }
0x17e: {  	s22 =	sadd.s32 $0x400, s22;
	v20 =	vsel vm0, v4, v3;
	vm0 =	vge.f32 v36, v6;
	v29 =	vld.idx.msk [tilespmem:v52+s15+$0x0], $0xffff;
	[tilespmem:s19+$0xFFFFFFB0] =	vst v41  }
0x17f: {  	_ =	sdelay $0x3  }
0x180: {  	v7 =	vld.idx.msk [tilespmem:v21+s15+$0x0], $0xffff;
	[tilespmem:s19+$0xFFFFFFC0] =	vst v34  }
0x181: {  	v8 =	vld.idx.msk [tilespmem:v24+s15+$0x0], $0xffff;
	[tilespmem:s19+$0xFFFFFFD0] =	vst v33  }
0x182: {  	v9 =	vld.idx.msk [tilespmem:v22+s15+$0x0], $0xffff;
	[tilespmem:s19+$0xFFFFFFE0] =	vst v30  }
0x183: {  	v10 =	vld.idx.msk [tilespmem:v10+s15+$0x0], $0xffff;
	[tilespmem:s19+$0xFFFFFFF0] =	vst v31;
	vm3 =	vge.f32 v23, v5;
	vm2 =	vge.f32 v26, v0  }
0x184: {  	[tilespmem:s19+$0xFFFFFF90] =	vst v32;
	vm11 =	vge.f32 v25, v6;
	vm4 =	vge.f32 v28, v0;
	v56 =	vsel vm2, v14, v12  }
0x185: {  	v58 =	vsel vm0, v2, v1;
	vm5 =	vge.f32 v29, v0;
	v57 =	vsel vm4, v15, v13;
	[tilespmem:s20+$0xFFFFFFA0] =	vst v56  }
0x186: {  	vm1 =	vge.f32 v27, v6;
	vm12 =	vge.f32 v7, v0;
	v59 =	vsel vm5, v17, v16;
	[tilespmem:s20+$0xFFFFFFB0] =	vst v57  }
0x187: {  	v3 =	vsel vm3, v4, v3;
	vm13 =	vge.f32 v8, v0;
	v60 =	vsel vm12, v19, v18;
	[tilespmem:s20+$0xFFFFFFC0] =	vst v59  }
0x188: {  	v61 =	vsel vm11, v2, v1;
	vm14 =	vge.f32 v9, v0;
	v5 =	vsel vm13, v58, v20;
	[tilespmem:s20+$0xFFFFFFD0] =	vst v60  }
0x189: {  	s18 =	sadd.s32 $0x1, s18;
	v62 =	vsel vm1, v2, v1;
	vm15 =	vge.f32 v10, v0;
	v63 =	vsel vm14, v61, v3;
	[tilespmem:s20+$0xFFFFFFE0] =	vst v5  }
0x18a: {  	p0 =	sne.s32 s18, s10;
	v1 =	vsel vm15, v62, v11;
	[tilespmem:s20+$0xFFFFFFF0] =	vst v63  }
.Ltmp4:
0x18b: {  	[tilespmem:s20+$0xFFFFFF90] =	vst v1;
	(pc) =	sbr.rel @p0 .LBB2_1-.Ltmp4, $4  }
0x18c: {  	[hbm4b:s9+s2] =	stream.linear.scatter [tilespmem:s17], [sflag:$0x3], $0x2000, $0x38;
	[tilespmem:$0xA240] =	vst v63  }
0x18d: {  	_ =	swait.ge [sflag:s12], $0x2000  }
0x18e: {  	[sflag:s12] =	ssyncset.done $0x0  }
0x18f: {  	[sflag:s12] =	ssyncadd.s32 $0xFFFFE000  }
0x190: {  	_ =	sfence.sel $0x180000  }
0x191: {  	[bflag:$0x0] =	sbarrier.arrive $0xFFFF  }
0x192: {  	p0 =	sne.s32 s1, $0x0;
	_ =	strace $0x90000047  }
0x193: {  	s0 =	sadd.s32 @!p0 $0x100000, s0;
	[bflag:$0x2] =	sbarrier.arrive $0xFFFF  }
0x194: {  	[sflag:s0] =	ssyncadd.tile.s32 @!p0 $0x1;
	_ =	shalt  }
.Lfunc_end2:
_tile_overlayer_lowered:
.L_overlay_start_2:
0x195: {  	(tag) =	ssettag $0x2  }
0x196: {  	s0 =	rddreg [dreg:$0x0];
	s2 =	stileid.u32  }
0x197: {  	s1 =	rddreg [dreg:$0x1];
	p0 =	sne.s32 s2, $0x0  }
0x198: {  	s3 =	rddreg [dreg:$0x2];
	[bflag:$0x3] =	sbarrier.arrive $0xFFFF;
	s2 =	simm.s32 @!p0 $0x1C03  }
0x199: {  	[timem:s3], [sflag:s2] =	dma.local @!p0 [hbm:s0], s1  }
0x19a: {  	s0 =	simm.s32 @!p0 $0x3  }
0x19b: {  	_ =	swait.ge @!p0 [sflag:s0], s1  }
0x19c: {  	s1 =	ssub.s32 @!p0 $0x0, s1;
	[sflag:s0] =	ssyncset.done @!p0 $0x0  }
0x19d: {  	[sflag:s0] =	ssyncadd.s32 @!p0 s1  }
0x19e: {  	[bflag:$0x3] =	sbarrier.arrive $0xFFFF  }
0x19f: {  	_ =	shalt  }

</sc_bundles>
